<compile_context>
chip_gen: v7x
topology: tpu7x:2x2x1
jax: 0.10.2.dev20260603
libtpu: 0.0.44.dev20260713+nightly
codegen_flags: <defaults>
</compile_context>

<pallas_src>
import functools

import jax
import jax.numpy as jnp
from jax import lax
from jax.experimental import pallas as pl
from jax.experimental.pallas import tpu as pltpu, tpu_sc as plsc

_NC = 2
_NS = 16
_NW = _NC * _NS
_L = 16

_T = 16384
_D = 2048
_TPW = _T // _NW
_K = 16
_NCH = _TPW // _K


def _sc_body(embeds_hbm, mask_hbm, images_hbm, out_hbm,
             mask_v, mpos, upos, midx, uidx, imgidx,
             rowbuf0, rowbuf1, rowbuf2,
             sem_g0, sem_g1, sem_g2, sem_s0, sem_s1, sem_s2):
    sid = lax.axis_index("s")
    cid = lax.axis_index("c")
    wid = sid * _NC + cid
    tok0 = wid * _TPW

    pltpu.sync_copy(mask_hbm, mask_v)

    iota16 = lax.iota(jnp.int32, _L)

    def cbody(j, carry):
        cm, cu = carry
        mv = mask_v[pl.ds(tok0 + j * _L, _L)]
        tok = tok0 + j * _L + iota16
        inc = plsc.cumsum(mv)
        rank_m = cm + inc - mv
        rank_u = cu + iota16 + 1 - inc - (1 - mv)
        mb = mv > 0
        plsc.store_scatter(mpos, [rank_m], tok, mask=mb)
        plsc.store_scatter(upos, [rank_u], tok, mask=jnp.logical_not(mb))
        s = inc[_L - 1]
        return (cm + s, cu + (_L - s))

    m_w, u_w = lax.fori_loop(0, _TPW // _L, cbody,
                             (jnp.int32(0), jnp.int32(0)))

    u_last = jnp.maximum(u_w - 1, 0)

    def ubody(j, c):
        lu = jnp.minimum(j * _K + iota16, u_last)
        uidx[j, pl.ds(0, _L)] = plsc.load_gather(upos, [lu])
        return c

    lax.fori_loop(0, _NCH, ubody, jnp.int32(0))

    nu = (u_w + _K - 1) // _K
    nm = (m_w + _K - 1) // _K
    nt = nu + nm

    bufs = (rowbuf0, rowbuf1, rowbuf2)
    gsems = (sem_g0, sem_g1, sem_g2)
    ssems = (sem_s0, sem_s1, sem_s2)

    def start_gather_u(j, b):
        @pl.when(j < nu)
        def _():
            pltpu.async_copy(embeds_hbm.at[uidx.at[j]], bufs[b], gsems[b])

    start_gather_u(0, 0)
    start_gather_u(1, 1)

    zero16 = jnp.zeros((_L,), jnp.int32)

    def pbody(i, accs):
        a0, a1, a2, a3 = accs
        base = i * (8 * _L)
        a0 = a0 + mask_v[pl.ds(base, _L)] + mask_v[pl.ds(base + 4 * _L, _L)]
        a1 = (a1 + mask_v[pl.ds(base + _L, _L)]
              + mask_v[pl.ds(base + 5 * _L, _L)])
        a2 = (a2 + mask_v[pl.ds(base + 2 * _L, _L)]
              + mask_v[pl.ds(base + 6 * _L, _L)])
        a3 = (a3 + mask_v[pl.ds(base + 3 * _L, _L)]
              + mask_v[pl.ds(base + 7 * _L, _L)])
        return (a0, a1, a2, a3)

    a0, a1, a2, a3 = lax.fori_loop(0, wid * (_TPW // (8 * _L)), pbody,
                                   (zero16, zero16, zero16, zero16))
    acc = (a0 + a1) + (a2 + a3)
    s_start = jnp.int32(0)
    for i in range(_L):
        s_start = s_start + acc[i]

    m_last = jnp.maximum(m_w - 1, 0)

    def mbody(j, c):
        lm = jnp.minimum(j * _K + iota16, m_last)
        midx[j, pl.ds(0, _L)] = plsc.load_gather(mpos, [lm])
        imgidx[j, pl.ds(0, _L)] = s_start + lm
        return c

    lax.fori_loop(0, _NCH, mbody, jnp.int32(0))

    def start_gather(j, b):
        start_gather_u(j, b)

        @pl.when(jnp.logical_and(j >= nu, j < nt))
        def _():
            pltpu.async_copy(images_hbm.at[imgidx.at[j - nu]], bufs[b],
                             gsems[b])

    def start_scatter(j, b):
        @pl.when(j < nu)
        def _():
            pltpu.async_copy(bufs[b], out_hbm.at[uidx.at[j]], ssems[b])

        @pl.when(j >= nu)
        def _():
            pltpu.async_copy(bufs[b], out_hbm.at[midx.at[j - nu]], ssems[b])

    def wait_gather(b):
        pltpu.make_async_copy(images_hbm.at[imgidx.at[0]], bufs[b],
                              gsems[b]).wait()

    def wait_scatter(b):
        pltpu.make_async_copy(bufs[b], out_hbm.at[midx.at[0]],
                              ssems[b]).wait()

    for j, b in ((0, 0), (1, 1)):
        @pl.when(j >= nu)
        def _(j=j, b=b):
            start_gather(j, b)

    def ring(i, c):
        for b in (0, 1, 2):
            j = 3 * i + b

            @pl.when(j < nt)
            def _():
                wait_gather(b)
                start_scatter(j, b)

            @pl.when(jnp.logical_and(j >= 1, j <= nt))
            def _():
                wait_scatter((b + 2) % 3)

            @pl.when(j + 2 < nt)
            def _():
                start_gather(j + 2, (b + 2) % 3)
        return c

    lax.fori_loop(0, (nt + 2) // 3 + 1, ring, jnp.int32(0))


@jax.jit
def _scatter_block(embeds_flat, mask_i32, images):
    mesh = plsc.VectorSubcoreMesh(core_axis_name="c", subcore_axis_name="s")
    fn = functools.partial(
        pl.kernel,
        mesh=mesh,
        out_type=jax.ShapeDtypeStruct((_T, _D), jnp.float32),
        scratch_types=[
            pltpu.VMEM((_T,), jnp.int32),
            pltpu.VMEM((_TPW,), jnp.int32),
            pltpu.VMEM((_TPW,), jnp.int32),
            pltpu.VMEM((_NCH, _L), jnp.int32),
            pltpu.VMEM((_NCH, _L), jnp.int32),
            pltpu.VMEM((_NCH, _L), jnp.int32),
            pltpu.VMEM((_K, _D), jnp.float32),
            pltpu.VMEM((_K, _D), jnp.float32),
            pltpu.VMEM((_K, _D), jnp.float32),
            pltpu.SemaphoreType.DMA,
            pltpu.SemaphoreType.DMA,
            pltpu.SemaphoreType.DMA,
            pltpu.SemaphoreType.DMA,
            pltpu.SemaphoreType.DMA,
            pltpu.SemaphoreType.DMA,
        ],
        compiler_params=pltpu.CompilerParams(needs_layout_passes=False),
    )(_sc_body)
    return fn(embeds_flat, mask_i32, images)


def kernel(inputs_embeds, images_seq_mask, images_in_this_batch):
    shape = inputs_embeds.shape
    embeds_flat = inputs_embeds.reshape(_T, _D)
    mask_i32 = images_seq_mask.reshape(_T).astype(jnp.int32)
    out = _scatter_block(embeds_flat, mask_i32, images_in_this_batch)
    return out.reshape(shape)

# --- scband reference (transcript-rebuilt; emitter-appended) ---
"""Pipeline reference for scband-deepseek-ocr-image-token-scatter-block-25091198943419 (READ-ONLY COPY).

The authoritative reference and input builder live on the scoring server;
editing this copy changes nothing except your own understanding.
"""

import jax, jax.numpy as jnp
import numpy as np


def setup_inputs(seed: int = 0) -> dict:
    key = jax.random.key(seed)
    k1, k2, k3 = jax.random.split(key, 3)
    inputs_embeds = jax.random.normal(k1, (2, 8192, 2048), dtype=jnp.float32)
    images_seq_mask = jax.random.randint(k2, (2, 8192), 0, 2).astype(jnp.bool_)
    images_in_this_batch = jax.random.normal(k3, (16384, 2048), dtype=jnp.float32)
    return {
        "inputs_embeds": inputs_embeds,
        "images_seq_mask": images_seq_mask,
        "images_in_this_batch": images_in_this_batch,
    }


def reference(inputs_embeds, images_seq_mask, images_in_this_batch):
    # mask = images_seq_mask.unsqueeze(-1); broadcast against inputs_embeds
    mask = images_seq_mask[..., None]
    mask_broad = jnp.broadcast_to(mask, inputs_embeds.shape)
    data = inputs_embeds
    mask_flat = mask_broad.reshape(-1)
    data_flat = data.reshape(-1)
    source_flat = images_in_this_batch.reshape(-1)
    mask_i = mask_flat.astype(jnp.int32)
    source_idx = jnp.cumsum(mask_i, axis=0) - 1
    source_idx = jnp.clip(source_idx, 0, source_flat.shape[0] - 1)
    gathered = jnp.take(source_flat, source_idx, axis=0)
    result_flat = jnp.where(mask_flat, gathered, data_flat)
    return result_flat.reshape(inputs_embeds.shape)

if __name__ == "__main__":
    import jax
    _d = setup_inputs()
    print(jax.jit(kernel)(*tuple(_d.values())))

</pallas_src>

<mosaic_0001>
#map = affine_map<(d0, d1) -> (0, 0)>
#map1 = affine_map<(d0, d1) -> (0)>
module attributes {stable_mosaic.version = 14 : i64} {
  func.func @_sc_body(%arg0: i32, %arg1: i32, %arg2: memref<16384x2048xf32, #tpu.memory_space<hbm>>, %arg3: memref<16384xi32, #tpu.memory_space<hbm>>, %arg4: memref<16384x2048xf32, #tpu.memory_space<hbm>>, %arg5: memref<16384x2048xf32, #tpu.memory_space<hbm>>, %arg6: memref<16384xi32, #tpu.memory_space<vmem>>, %arg7: memref<512xi32, #tpu.memory_space<vmem>>, %arg8: memref<512xi32, #tpu.memory_space<vmem>>, %arg9: memref<32x16xi32, #tpu.memory_space<vmem>>, %arg10: memref<32x16xi32, #tpu.memory_space<vmem>>, %arg11: memref<32x16xi32, #tpu.memory_space<vmem>>, %arg12: memref<16x2048xf32, #tpu.memory_space<vmem>>, %arg13: memref<16x2048xf32, #tpu.memory_space<vmem>>, %arg14: memref<16x2048xf32, #tpu.memory_space<vmem>>, %arg15: memref<!tpu.dma_semaphore, #tpu.memory_space<semaphore_mem>>, %arg16: memref<!tpu.dma_semaphore, #tpu.memory_space<semaphore_mem>>, %arg17: memref<!tpu.dma_semaphore, #tpu.memory_space<semaphore_mem>>, %arg18: memref<!tpu.dma_semaphore, #tpu.memory_space<semaphore_mem>>, %arg19: memref<!tpu.dma_semaphore, #tpu.memory_space<semaphore_mem>>, %arg20: memref<!tpu.dma_semaphore, #tpu.memory_space<semaphore_mem>>) attributes {dimension_semantics = [#tpu.dimension_semantics<core_parallel>, #tpu.dimension_semantics<subcore_parallel>], iteration_bounds = array<i64: 2, 16>, scalar_prefetch = 0 : i64, scratch_operands = 15 : i64, tpu.core_type = #tpu.core_type<sc_vector_subcore>, window_params = [{transform_indices = #map}, {transform_indices = #map1}, {transform_indices = #map}, {transform_indices = #map}]} {
    %mul3A = arith.constant 2 : i32
    %mul3A_0 = arith.muli %arg1, %mul3A : i32
    %add3A = arith.addi %mul3A_0, %arg0 : i32
    %mul3A_1 = arith.constant 512 : i32
    %mul3A_2 = arith.muli %add3A, %mul3A_1 : i32
    "tpu.region"() ({
      %run_scoped3A = tpu.sem_alloc : memref<!tpu.dma_semaphore, #tpu.memory_space<semaphore_mem>>
      tpu.enqueue_dma source(%arg3 : memref<16384xi32, #tpu.memory_space<hbm>>) target(%arg6 : memref<16384xi32, #tpu.memory_space<vmem>>) target_semaphore(%run_scoped3A : memref<!tpu.dma_semaphore, #tpu.memory_space<semaphore_mem>>)
      tpu.wait_dma2 semaphore(%run_scoped3A : memref<!tpu.dma_semaphore, #tpu.memory_space<semaphore_mem>>) src(%arg3 : memref<16384xi32, #tpu.memory_space<hbm>>) dst(%arg6 : memref<16384xi32, #tpu.memory_space<vmem>>)
      tpu.yield
    }) : () -> ()
    %iota3A = tpu.iota {dimensions = array<i32: 0>} : vector<16xi32>
    %scan3A = arith.constant 0 : i32
    %scan3A_3 = arith.constant 0 : i32
    %scan3A_4 = arith.constant 0 : i32
    %scan3A_5 = arith.constant 32 : i32
    %scan3A_6 = arith.addi %scan3A_4, %scan3A_5 : i32
    %scan3A_7 = arith.constant 1 : i32
    %scan3A_8:2 = scf.for %scan3A_195 = %scan3A_4 to %scan3A_6 step %scan3A_7 iter_args(%scan3A_196 = %scan3A, %scan3A_197 = %scan3A_3) -> (i32, i32)  : i32 {
      %mul3A_198 = arith.constant 16 : i32
      %mul3A_199 = arith.muli %scan3A_195, %mul3A_198 : i32
      %add3A_200 = arith.addi %mul3A_2, %mul3A_199 : i32
      %get3A = arith.index_cast %add3A_200 : i32 to index
      %get3A_201 = tpu.vector_load %arg6[%get3A] {strides = array<i32>} : memref<16384xi32, #tpu.memory_space<vmem>>, vector<16xi32>,
      %mul3A_202 = arith.constant 16 : i32
      %mul3A_203 = arith.muli %scan3A_195, %mul3A_202 : i32
      %add3A_204 = arith.addi %mul3A_2, %mul3A_203 : i32
      %add3A_205 = vector.broadcast %add3A_204 : i32 to vector<16xi32>
      %add3A_206 = arith.addi %add3A_205, %iota3A : vector<16xi32>
      %broadcast_in_dim3A_207 = arith.constant true
      %broadcast_in_dim3A_208 = vector.broadcast %broadcast_in_dim3A_207 : i1 to vector<16xi1>
      %masked_cumsum3A = tpu.scan <sum>, %get3A_201 masked %broadcast_in_dim3A_208 : vector<16xi32>, vector<16xi1> -> vector<16xi32>
      %add3A_209 = vector.broadcast %scan3A_196 : i32 to vector<16xi32>
      %add3A_210 = arith.addi %add3A_209, %masked_cumsum3A : vector<16xi32>
      %sub3A_211 = arith.subi %add3A_210, %get3A_201 : vector<16xi32>
      %add3A_212 = vector.broadcast %scan3A_197 : i32 to vector<16xi32>
      %add3A_213 = arith.addi %add3A_212, %iota3A : vector<16xi32>
      %add3A_214 = arith.constant 1 : i32
      %add3A_215 = vector.broadcast %add3A_214 : i32 to vector<16xi32>
      %add3A_216 = arith.addi %add3A_213, %add3A_215 : vector<16xi32>
      %sub3A_217 = arith.subi %add3A_216, %masked_cumsum3A : vector<16xi32>
      %sub3A_218 = arith.constant 1 : i32
      %sub3A_219 = vector.broadcast %sub3A_218 : i32 to vector<16xi32>
      %sub3A_220 = arith.subi %sub3A_219, %get3A_201 : vector<16xi32>
      %sub3A_221 = arith.subi %sub3A_217, %sub3A_220 : vector<16xi32>
      %gt3A_222 = arith.constant 0 : i32
      %gt3A_223 = vector.broadcast %gt3A_222 : i32 to vector<16xi32>
      %gt3A_224 = arith.cmpi sgt, %get3A_201, %gt3A_223 : vector<16xi32>
      tpu.vector_store_idx %arg7[%sub3A_211], %add3A_206 masked %gt3A_224 : memref<512xi32, #tpu.memory_space<vmem>>[vector<16xi32>], vector<16xi32>, vector<16xi1>
      %not3A = arith.constant dense<true> : vector<16xi1>
      %not3A_225 = arith.xori %gt3A_224, %not3A : vector<16xi1>
      tpu.vector_store_idx %arg8[%sub3A_221], %add3A_206 masked %not3A_225 : memref<512xi32, #tpu.memory_space<vmem>>[vector<16xi32>], vector<16xi32>, vector<16xi1>
      %slice3A_226 = vector.extract_strided_slice %masked_cumsum3A {offsets = [15], sizes = [1], strides = [1]} : vector<16xi32> to vector<1xi32>
      %squeeze3A_227 = vector.extract %slice3A_226[0] : i32 from vector<1xi32>
      %add3A_228 = arith.addi %scan3A_196, %squeeze3A_227 : i32
      %sub3A_229 = arith.constant 16 : i32
      %sub3A_230 = arith.subi %sub3A_229, %squeeze3A_227 : i32
      %add3A_231 = arith.addi %scan3A_197, %sub3A_230 : i32
      scf.yield %add3A_228, %add3A_231 : i32, i32
    }
    %scan3A_9 = arith.constant 32 : i32
    %sub3A = arith.constant 1 : i32
    %sub3A_10 = arith.subi %scan3A_8#1, %sub3A : i32
    %max3A = arith.constant 0 : i32
    %max3A_11 = arith.maxsi %sub3A_10, %max3A : i32
    %scan3A_12 = arith.constant 0 : i32
    %scan3A_13 = arith.constant 0 : i32
    %scan3A_14 = arith.constant 32 : i32
    %scan3A_15 = arith.addi %scan3A_13, %scan3A_14 : i32
    %scan3A_16 = arith.constant 1 : i32
    scf.for %scan3A_195 = %scan3A_13 to %scan3A_15 step %scan3A_16  : i32 {
      %mul3A_196 = arith.constant 16 : i32
      %mul3A_197 = arith.muli %scan3A_195, %mul3A_196 : i32
      %add3A_198 = vector.broadcast %mul3A_197 : i32 to vector<16xi32>
      %add3A_199 = arith.addi %add3A_198, %iota3A : vector<16xi32>
      %min3A = vector.broadcast %max3A_11 : i32 to vector<16xi32>
      %min3A_200 = arith.minsi %add3A_199, %min3A : vector<16xi32>
      %gather3A = tpu.vector_load_idx %arg8[%min3A_200] : memref<512xi32, #tpu.memory_space<vmem>>[vector<16xi32>], vector<16xi32>,
      %swap3A = arith.index_cast %scan3A_195 : i32 to index
      %swap3A_201 = arith.constant 0 : index
      %swap3A_202 = tpu.vector_load %arg10[%swap3A, %swap3A_201] {strides = array<i32>} : memref<32x16xi32, #tpu.memory_space<vmem>>, vector<16xi32>,
      tpu.vector_store %arg10[%swap3A, %swap3A_201], %gather3A {strides = array<i32>} : memref<32x16xi32, #tpu.memory_space<vmem>>, vector<16xi32>,
    }
    %scan3A_17 = arith.constant 32 : i32
    %add3A_18 = arith.constant 16 : i32
    %add3A_19 = arith.addi %scan3A_8#1, %add3A_18 : i32
    %sub3A_20 = arith.constant 1 : i32
    %sub3A_21 = arith.subi %add3A_19, %sub3A_20 : i32
    %jit3A = arith.constant 16 : i32
    %div3A = arith.divsi %sub3A_21, %jit3A : i32
    %sign3A = arith.constant 0 : i32
    %sign3A_22 = arith.cmpi sgt, %sub3A_21, %sign3A : i32
    %sign3A_23 = arith.extui %sign3A_22 : i1 to i32
    %sign3A_24 = arith.constant 0 : i32
    %sign3A_25 = arith.cmpi slt, %sub3A_21, %sign3A_24 : i32
    %sign3A_26 = arith.extui %sign3A_25 : i1 to i32
    %sign3A_27 = arith.subi %sign3A_23, %sign3A_26 : i32
    %sign3A_28 = arith.constant 0 : i32
    %sign3A_29 = arith.cmpi sgt, %jit3A, %sign3A_28 : i32
    %sign3A_30 = arith.extui %sign3A_29 : i1 to i32
    %sign3A_31 = arith.constant 0 : i32
    %sign3A_32 = arith.cmpi slt, %jit3A, %sign3A_31 : i32
    %sign3A_33 = arith.extui %sign3A_32 : i1 to i32
    %sign3A_34 = arith.subi %sign3A_30, %sign3A_33 : i32
    %ne3A = arith.cmpi ne, %sign3A_27, %sign3A_34 : i32
    %rem3A = arith.remsi %sub3A_21, %jit3A : i32
    %ne3A_35 = arith.constant 0 : i32
    %ne3A_36 = arith.cmpi ne, %rem3A, %ne3A_35 : i32
    %and3A = arith.andi %ne3A, %ne3A_36 : i1
    %sub3A_37 = arith.constant 1 : i32
    %sub3A_38 = arith.subi %div3A, %sub3A_37 : i32
    %select_n3A = arith.select %and3A, %sub3A_38, %div3A : i32
    %add3A_39 = arith.constant 16 : i32
    %add3A_40 = arith.addi %scan3A_8#0, %add3A_39 : i32
    %sub3A_41 = arith.constant 1 : i32
    %sub3A_42 = arith.subi %add3A_40, %sub3A_41 : i32
    %jit3A_43 = arith.constant 16 : i32
    %div3A_44 = arith.divsi %sub3A_42, %jit3A_43 : i32
    %sign3A_45 = arith.constant 0 : i32
    %sign3A_46 = arith.cmpi sgt, %sub3A_42, %sign3A_45 : i32
    %sign3A_47 = arith.extui %sign3A_46 : i1 to i32
    %sign3A_48 = arith.constant 0 : i32
    %sign3A_49 = arith.cmpi slt, %sub3A_42, %sign3A_48 : i32
    %sign3A_50 = arith.extui %sign3A_49 : i1 to i32
    %sign3A_51 = arith.subi %sign3A_47, %sign3A_50 : i32
    %sign3A_52 = arith.constant 0 : i32
    %sign3A_53 = arith.cmpi sgt, %jit3A_43, %sign3A_52 : i32
    %sign3A_54 = arith.extui %sign3A_53 : i1 to i32
    %sign3A_55 = arith.constant 0 : i32
    %sign3A_56 = arith.cmpi slt, %jit3A_43, %sign3A_55 : i32
    %sign3A_57 = arith.extui %sign3A_56 : i1 to i32
    %sign3A_58 = arith.subi %sign3A_54, %sign3A_57 : i32
    %ne3A_59 = arith.cmpi ne, %sign3A_51, %sign3A_58 : i32
    %rem3A_60 = arith.remsi %sub3A_42, %jit3A_43 : i32
    %ne3A_61 = arith.constant 0 : i32
    %ne3A_62 = arith.cmpi ne, %rem3A_60, %ne3A_61 : i32
    %and3A_63 = arith.andi %ne3A_59, %ne3A_62 : i1
    %sub3A_64 = arith.constant 1 : i32
    %sub3A_65 = arith.subi %div3A_44, %sub3A_64 : i32
    %select_n3A_66 = arith.select %and3A_63, %sub3A_65, %div3A_44 : i32
    %add3A_67 = arith.addi %select_n3A, %select_n3A_66 : i32
    %gt3A = arith.constant 0 : i32
    %gt3A_68 = arith.cmpi sgt, %select_n3A, %gt3A : i32
    %convert_element_type3A = arith.extui %gt3A_68 : i1 to i32
    %cond3A = arith.constant 0 : i32
    %cond3A_69 = arith.cmpi ne, %convert_element_type3A, %cond3A : i32
    scf.if %cond3A_69 {
      %dma_start3A = arith.constant 0 : i32
      %dma_start3A_195 = arith.constant 0 : i32
      %dma_start3A_196 = tpu.memref_slice %arg10[%dma_start3A, %dma_start3A_195] : memref<32x16xi32, #tpu.memory_space<vmem>> -> memref<1x16xi32, #tpu.memory_space<vmem>>
      %dma_start3A_197 = tpu.memref_squeeze %dma_start3A_196 : memref<1x16xi32, #tpu.memory_space<vmem>> -> memref<16xi32, #tpu.memory_space<vmem>>
      %dma_start3A_198 = arith.constant 0 : i32
      %dma_start3A_199 = arith.constant 0 : i32
      %dma_start3A_200 = tpu.memref_slice %arg2[%dma_start3A_198, %dma_start3A_199] : memref<16384x2048xf32, #tpu.memory_space<hbm>> -> memref<16384x2048xf32, #tpu.memory_space<hbm>>
      tpu.enqueue_indirect_dma source(%dma_start3A_200 : memref<16384x2048xf32, #tpu.memory_space<hbm>>) target(%arg12 : memref<16x2048xf32, #tpu.memory_space<vmem>>) offsets(%dma_start3A_197 : memref<16xi32, #tpu.memory_space<vmem>>) semaphore(%arg15 : memref<!tpu.dma_semaphore, #tpu.memory_space<semaphore_mem>>)
    } else {
    }
    %gt3A_70 = arith.constant 1 : i32
    %gt3A_71 = arith.cmpi sgt, %select_n3A, %gt3A_70 : i32
    %convert_element_type3A_72 = arith.extui %gt3A_71 : i1 to i32
    %cond3A_73 = arith.constant 0 : i32
    %cond3A_74 = arith.cmpi ne, %convert_element_type3A_72, %cond3A_73 : i32
    scf.if %cond3A_74 {
      %dma_start3A = arith.constant 1 : i32
      %dma_start3A_195 = arith.constant 0 : i32
      %dma_start3A_196 = tpu.memref_slice %arg10[%dma_start3A, %dma_start3A_195] : memref<32x16xi32, #tpu.memory_space<vmem>> -> memref<1x16xi32, #tpu.memory_space<vmem>>
      %dma_start3A_197 = tpu.memref_squeeze %dma_start3A_196 : memref<1x16xi32, #tpu.memory_space<vmem>> -> memref<16xi32, #tpu.memory_space<vmem>>
      %dma_start3A_198 = arith.constant 0 : i32
      %dma_start3A_199 = arith.constant 0 : i32
      %dma_start3A_200 = tpu.memref_slice %arg2[%dma_start3A_198, %dma_start3A_199] : memref<16384x2048xf32, #tpu.memory_space<hbm>> -> memref<16384x2048xf32, #tpu.memory_space<hbm>>
      tpu.enqueue_indirect_dma source(%dma_start3A_200 : memref<16384x2048xf32, #tpu.memory_space<hbm>>) target(%arg13 : memref<16x2048xf32, #tpu.memory_space<vmem>>) offsets(%dma_start3A_197 : memref<16xi32, #tpu.memory_space<vmem>>) semaphore(%arg16 : memref<!tpu.dma_semaphore, #tpu.memory_space<semaphore_mem>>)
    } else {
    }
    %broadcast_in_dim3A = arith.constant 0 : i32
    %broadcast_in_dim3A_75 = vector.broadcast %broadcast_in_dim3A : i32 to vector<16xi32>
    %mul3A_76 = arith.constant 4 : i32
    %mul3A_77 = arith.muli %add3A, %mul3A_76 : i32
    %while3A = arith.constant 0 : i32
    %while3A_78 = arith.subi %mul3A_77, %while3A : i32
    %while3A_79 = arith.addi %while3A, %while3A_78 : i32
    %while3A_80 = arith.constant 1 : i32
    %while3A_81 = arith.divsi %while3A_78, %while3A_80 : i32
    %while3A_82 = arith.muli %while3A_81, %while3A_80 : i32
    %while3A_83 = arith.addi %while3A, %while3A_82 : i32
    %while3A_84 = arith.constant 1 : i32
    %while3A_85:4 = scf.for %while3A_195 = %while3A to %while3A_83 step %while3A_84 iter_args(%while3A_196 = %broadcast_in_dim3A_75, %while3A_197 = %broadcast_in_dim3A_75, %while3A_198 = %broadcast_in_dim3A_75, %while3A_199 = %broadcast_in_dim3A_75) -> (vector<16xi32>, vector<16xi32>, vector<16xi32>, vector<16xi32>)  : i32 {
      %mul3A_200 = arith.constant 128 : i32
      %mul3A_201 = arith.muli %while3A_195, %mul3A_200 : i32
      %get3A = arith.index_cast %mul3A_201 : i32 to index
      %get3A_202 = tpu.vector_load %arg6[%get3A] {strides = array<i32>} : memref<16384xi32, #tpu.memory_space<vmem>>, vector<16xi32>,
      %add3A_203 = arith.addi %while3A_196, %get3A_202 : vector<16xi32>
      %add3A_204 = arith.constant 64 : i32
      %add3A_205 = arith.addi %mul3A_201, %add3A_204 : i32
      %get3A_206 = arith.index_cast %add3A_205 : i32 to index
      %get3A_207 = tpu.vector_load %arg6[%get3A_206] {strides = array<i32>} : memref<16384xi32, #tpu.memory_space<vmem>>, vector<16xi32>,
      %add3A_208 = arith.addi %add3A_203, %get3A_207 : vector<16xi32>
      %add3A_209 = arith.constant 16 : i32
      %add3A_210 = arith.addi %mul3A_201, %add3A_209 : i32
      %get3A_211 = arith.index_cast %add3A_210 : i32 to index
      %get3A_212 = tpu.vector_load %arg6[%get3A_211] {strides = array<i32>} : memref<16384xi32, #tpu.memory_space<vmem>>, vector<16xi32>,
      %add3A_213 = arith.addi %while3A_197, %get3A_212 : vector<16xi32>
      %add3A_214 = arith.constant 80 : i32
      %add3A_215 = arith.addi %mul3A_201, %add3A_214 : i32
      %get3A_216 = arith.index_cast %add3A_215 : i32 to index
      %get3A_217 = tpu.vector_load %arg6[%get3A_216] {strides = array<i32>} : memref<16384xi32, #tpu.memory_space<vmem>>, vector<16xi32>,
      %add3A_218 = arith.addi %add3A_213, %get3A_217 : vector<16xi32>
      %add3A_219 = arith.constant 32 : i32
      %add3A_220 = arith.addi %mul3A_201, %add3A_219 : i32
      %get3A_221 = arith.index_cast %add3A_220 : i32 to index
      %get3A_222 = tpu.vector_load %arg6[%get3A_221] {strides = array<i32>} : memref<16384xi32, #tpu.memory_space<vmem>>, vector<16xi32>,
      %add3A_223 = arith.addi %while3A_198, %get3A_222 : vector<16xi32>
      %add3A_224 = arith.constant 96 : i32
      %add3A_225 = arith.addi %mul3A_201, %add3A_224 : i32
      %get3A_226 = arith.index_cast %add3A_225 : i32 to index
      %get3A_227 = tpu.vector_load %arg6[%get3A_226] {strides = array<i32>} : memref<16384xi32, #tpu.memory_space<vmem>>, vector<16xi32>,
      %add3A_228 = arith.addi %add3A_223, %get3A_227 : vector<16xi32>
      %add3A_229 = arith.constant 48 : i32
      %add3A_230 = arith.addi %mul3A_201, %add3A_229 : i32
      %get3A_231 = arith.index_cast %add3A_230 : i32 to index
      %get3A_232 = tpu.vector_load %arg6[%get3A_231] {strides = array<i32>} : memref<16384xi32, #tpu.memory_space<vmem>>, vector<16xi32>,
      %add3A_233 = arith.addi %while3A_199, %get3A_232 : vector<16xi32>
      %add3A_234 = arith.constant 112 : i32
      %add3A_235 = arith.addi %mul3A_201, %add3A_234 : i32
      %get3A_236 = arith.index_cast %add3A_235 : i32 to index
      %get3A_237 = tpu.vector_load %arg6[%get3A_236] {strides = array<i32>} : memref<16384xi32, #tpu.memory_space<vmem>>, vector<16xi32>,
      %add3A_238 = arith.addi %add3A_233, %get3A_237 : vector<16xi32>
      scf.yield %add3A_208, %add3A_218, %add3A_228, %add3A_238 : vector<16xi32>, vector<16xi32>, vector<16xi32>, vector<16xi32>
    }
    %while3A_86 = arith.constant 1 : i32
    %while3A_87:4 = scf.for %while3A_195 = %while3A_83 to %while3A_79 step %while3A_86 iter_args(%while3A_196 = %while3A_85#0, %while3A_197 = %while3A_85#1, %while3A_198 = %while3A_85#2, %while3A_199 = %while3A_85#3) -> (vector<16xi32>, vector<16xi32>, vector<16xi32>, vector<16xi32>)  : i32 {
      %mul3A_200 = arith.constant 128 : i32
      %mul3A_201 = arith.muli %while3A_195, %mul3A_200 : i32
      %get3A = arith.index_cast %mul3A_201 : i32 to index
      %get3A_202 = tpu.vector_load %arg6[%get3A] {strides = array<i32>} : memref<16384xi32, #tpu.memory_space<vmem>>, vector<16xi32>,
      %add3A_203 = arith.addi %while3A_196, %get3A_202 : vector<16xi32>
      %add3A_204 = arith.constant 64 : i32
      %add3A_205 = arith.addi %mul3A_201, %add3A_204 : i32
      %get3A_206 = arith.index_cast %add3A_205 : i32 to index
      %get3A_207 = tpu.vector_load %arg6[%get3A_206] {strides = array<i32>} : memref<16384xi32, #tpu.memory_space<vmem>>, vector<16xi32>,
      %add3A_208 = arith.addi %add3A_203, %get3A_207 : vector<16xi32>
      %add3A_209 = arith.constant 16 : i32
      %add3A_210 = arith.addi %mul3A_201, %add3A_209 : i32
      %get3A_211 = arith.index_cast %add3A_210 : i32 to index
      %get3A_212 = tpu.vector_load %arg6[%get3A_211] {strides = array<i32>} : memref<16384xi32, #tpu.memory_space<vmem>>, vector<16xi32>,
      %add3A_213 = arith.addi %while3A_197, %get3A_212 : vector<16xi32>
      %add3A_214 = arith.constant 80 : i32
      %add3A_215 = arith.addi %mul3A_201, %add3A_214 : i32
      %get3A_216 = arith.index_cast %add3A_215 : i32 to index
      %get3A_217 = tpu.vector_load %arg6[%get3A_216] {strides = array<i32>} : memref<16384xi32, #tpu.memory_space<vmem>>, vector<16xi32>,
      %add3A_218 = arith.addi %add3A_213, %get3A_217 : vector<16xi32>
      %add3A_219 = arith.constant 32 : i32
      %add3A_220 = arith.addi %mul3A_201, %add3A_219 : i32
      %get3A_221 = arith.index_cast %add3A_220 : i32 to index
      %get3A_222 = tpu.vector_load %arg6[%get3A_221] {strides = array<i32>} : memref<16384xi32, #tpu.memory_space<vmem>>, vector<16xi32>,
      %add3A_223 = arith.addi %while3A_198, %get3A_222 : vector<16xi32>
      %add3A_224 = arith.constant 96 : i32
      %add3A_225 = arith.addi %mul3A_201, %add3A_224 : i32
      %get3A_226 = arith.index_cast %add3A_225 : i32 to index
      %get3A_227 = tpu.vector_load %arg6[%get3A_226] {strides = array<i32>} : memref<16384xi32, #tpu.memory_space<vmem>>, vector<16xi32>,
      %add3A_228 = arith.addi %add3A_223, %get3A_227 : vector<16xi32>
      %add3A_229 = arith.constant 48 : i32
      %add3A_230 = arith.addi %mul3A_201, %add3A_229 : i32
      %get3A_231 = arith.index_cast %add3A_230 : i32 to index
      %get3A_232 = tpu.vector_load %arg6[%get3A_231] {strides = array<i32>} : memref<16384xi32, #tpu.memory_space<vmem>>, vector<16xi32>,
      %add3A_233 = arith.addi %while3A_199, %get3A_232 : vector<16xi32>
      %add3A_234 = arith.constant 112 : i32
      %add3A_235 = arith.addi %mul3A_201, %add3A_234 : i32
      %get3A_236 = arith.index_cast %add3A_235 : i32 to index
      %get3A_237 = tpu.vector_load %arg6[%get3A_236] {strides = array<i32>} : memref<16384xi32, #tpu.memory_space<vmem>>, vector<16xi32>,
      %add3A_238 = arith.addi %add3A_233, %get3A_237 : vector<16xi32>
      scf.yield %add3A_208, %add3A_218, %add3A_228, %add3A_238 : vector<16xi32>, vector<16xi32>, vector<16xi32>, vector<16xi32>
    }
    %add3A_88 = arith.addi %while3A_87#0, %while3A_87#1 : vector<16xi32>
    %add3A_89 = arith.addi %while3A_87#2, %while3A_87#3 : vector<16xi32>
    %add3A_90 = arith.addi %add3A_88, %add3A_89 : vector<16xi32>
    %slice3A = vector.extract_strided_slice %add3A_90 {offsets = [0], sizes = [1], strides = [1]} : vector<16xi32> to vector<1xi32>
    %squeeze3A = vector.extract %slice3A[0] : i32 from vector<1xi32>
    %add3A_91 = arith.constant 0 : i32
    %add3A_92 = arith.addi %add3A_91, %squeeze3A : i32
    %slice3A_93 = vector.extract_strided_slice %add3A_90 {offsets = [1], sizes = [1], strides = [1]} : vector<16xi32> to vector<1xi32>
    %squeeze3A_94 = vector.extract %slice3A_93[0] : i32 from vector<1xi32>
    %add3A_95 = arith.addi %add3A_92, %squeeze3A_94 : i32
    %slice3A_96 = vector.extract_strided_slice %add3A_90 {offsets = [2], sizes = [1], strides = [1]} : vector<16xi32> to vector<1xi32>
    %squeeze3A_97 = vector.extract %slice3A_96[0] : i32 from vector<1xi32>
    %add3A_98 = arith.addi %add3A_95, %squeeze3A_97 : i32
    %slice3A_99 = vector.extract_strided_slice %add3A_90 {offsets = [3], sizes = [1], strides = [1]} : vector<16xi32> to vector<1xi32>
    %squeeze3A_100 = vector.extract %slice3A_99[0] : i32 from vector<1xi32>
    %add3A_101 = arith.addi %add3A_98, %squeeze3A_100 : i32
    %slice3A_102 = vector.extract_strided_slice %add3A_90 {offsets = [4], sizes = [1], strides = [1]} : vector<16xi32> to vector<1xi32>
    %squeeze3A_103 = vector.extract %slice3A_102[0] : i32 from vector<1xi32>
    %add3A_104 = arith.addi %add3A_101, %squeeze3A_103 : i32
    %slice3A_105 = vector.extract_strided_slice %add3A_90 {offsets = [5], sizes = [1], strides = [1]} : vector<16xi32> to vector<1xi32>
    %squeeze3A_106 = vector.extract %slice3A_105[0] : i32 from vector<1xi32>
    %add3A_107 = arith.addi %add3A_104, %squeeze3A_106 : i32
    %slice3A_108 = vector.extract_strided_slice %add3A_90 {offsets = [6], sizes = [1], strides = [1]} : vector<16xi32> to vector<1xi32>
    %squeeze3A_109 = vector.extract %slice3A_108[0] : i32 from vector<1xi32>
    %add3A_110 = arith.addi %add3A_107, %squeeze3A_109 : i32
    %slice3A_111 = vector.extract_strided_slice %add3A_90 {offsets = [7], sizes = [1], strides = [1]} : vector<16xi32> to vector<1xi32>
    %squeeze3A_112 = vector.extract %slice3A_111[0] : i32 from vector<1xi32>
    %add3A_113 = arith.addi %add3A_110, %squeeze3A_112 : i32
    %slice3A_114 = vector.extract_strided_slice %add3A_90 {offsets = [8], sizes = [1], strides = [1]} : vector<16xi32> to vector<1xi32>
    %squeeze3A_115 = vector.extract %slice3A_114[0] : i32 from vector<1xi32>
    %add3A_116 = arith.addi %add3A_113, %squeeze3A_115 : i32
    %slice3A_117 = vector.extract_strided_slice %add3A_90 {offsets = [9], sizes = [1], strides = [1]} : vector<16xi32> to vector<1xi32>
    %squeeze3A_118 = vector.extract %slice3A_117[0] : i32 from vector<1xi32>
    %add3A_119 = arith.addi %add3A_116, %squeeze3A_118 : i32
    %slice3A_120 = vector.extract_strided_slice %add3A_90 {offsets = [10], sizes = [1], strides = [1]} : vector<16xi32> to vector<1xi32>
    %squeeze3A_121 = vector.extract %slice3A_120[0] : i32 from vector<1xi32>
    %add3A_122 = arith.addi %add3A_119, %squeeze3A_121 : i32
    %slice3A_123 = vector.extract_strided_slice %add3A_90 {offsets = [11], sizes = [1], strides = [1]} : vector<16xi32> to vector<1xi32>
    %squeeze3A_124 = vector.extract %slice3A_123[0] : i32 from vector<1xi32>
    %add3A_125 = arith.addi %add3A_122, %squeeze3A_124 : i32
    %slice3A_126 = vector.extract_strided_slice %add3A_90 {offsets = [12], sizes = [1], strides = [1]} : vector<16xi32> to vector<1xi32>
    %squeeze3A_127 = vector.extract %slice3A_126[0] : i32 from vector<1xi32>
    %add3A_128 = arith.addi %add3A_125, %squeeze3A_127 : i32
    %slice3A_129 = vector.extract_strided_slice %add3A_90 {offsets = [13], sizes = [1], strides = [1]} : vector<16xi32> to vector<1xi32>
    %squeeze3A_130 = vector.extract %slice3A_129[0] : i32 from vector<1xi32>
    %add3A_131 = arith.addi %add3A_128, %squeeze3A_130 : i32
    %slice3A_132 = vector.extract_strided_slice %add3A_90 {offsets = [14], sizes = [1], strides = [1]} : vector<16xi32> to vector<1xi32>
    %squeeze3A_133 = vector.extract %slice3A_132[0] : i32 from vector<1xi32>
    %add3A_134 = arith.addi %add3A_131, %squeeze3A_133 : i32
    %slice3A_135 = vector.extract_strided_slice %add3A_90 {offsets = [15], sizes = [1], strides = [1]} : vector<16xi32> to vector<1xi32>
    %squeeze3A_136 = vector.extract %slice3A_135[0] : i32 from vector<1xi32>
    %add3A_137 = arith.addi %add3A_134, %squeeze3A_136 : i32
    %sub3A_138 = arith.constant 1 : i32
    %sub3A_139 = arith.subi %scan3A_8#0, %sub3A_138 : i32
    %max3A_140 = arith.constant 0 : i32
    %max3A_141 = arith.maxsi %sub3A_139, %max3A_140 : i32
    %scan3A_142 = arith.constant 0 : i32
    %scan3A_143 = arith.constant 0 : i32
    %scan3A_144 = arith.constant 32 : i32
    %scan3A_145 = arith.addi %scan3A_143, %scan3A_144 : i32
    %scan3A_146 = arith.constant 1 : i32
    scf.for %scan3A_195 = %scan3A_143 to %scan3A_145 step %scan3A_146  : i32 {
      %mul3A_196 = arith.constant 16 : i32
      %mul3A_197 = arith.muli %scan3A_195, %mul3A_196 : i32
      %add3A_198 = vector.broadcast %mul3A_197 : i32 to vector<16xi32>
      %add3A_199 = arith.addi %add3A_198, %iota3A : vector<16xi32>
      %min3A = vector.broadcast %max3A_141 : i32 to vector<16xi32>
      %min3A_200 = arith.minsi %add3A_199, %min3A : vector<16xi32>
      %gather3A = tpu.vector_load_idx %arg7[%min3A_200] : memref<512xi32, #tpu.memory_space<vmem>>[vector<16xi32>], vector<16xi32>,
      %swap3A = arith.index_cast %scan3A_195 : i32 to index
      %swap3A_201 = arith.constant 0 : index
      %swap3A_202 = tpu.vector_load %arg9[%swap3A, %swap3A_201] {strides = array<i32>} : memref<32x16xi32, #tpu.memory_space<vmem>>, vector<16xi32>,
      tpu.vector_store %arg9[%swap3A, %swap3A_201], %gather3A {strides = array<i32>} : memref<32x16xi32, #tpu.memory_space<vmem>>, vector<16xi32>,
      %add3A_203 = vector.broadcast %add3A_137 : i32 to vector<16xi32>
      %add3A_204 = arith.addi %add3A_203, %min3A_200 : vector<16xi32>
      %swap3A_205 = arith.index_cast %scan3A_195 : i32 to index
      %swap3A_206 = arith.constant 0 : index
      %swap3A_207 = tpu.vector_load %arg11[%swap3A_205, %swap3A_206] {strides = array<i32>} : memref<32x16xi32, #tpu.memory_space<vmem>>, vector<16xi32>,
      tpu.vector_store %arg11[%swap3A_205, %swap3A_206], %add3A_204 {strides = array<i32>} : memref<32x16xi32, #tpu.memory_space<vmem>>, vector<16xi32>,
    }
    %scan3A_147 = arith.constant 32 : i32
    %le3A = arith.constant 0 : i32
    %le3A_148 = arith.cmpi sle, %select_n3A, %le3A : i32
    %convert_element_type3A_149 = arith.extui %le3A_148 : i1 to i32
    %cond3A_150 = arith.constant 0 : i32
    %cond3A_151 = arith.cmpi ne, %convert_element_type3A_149, %cond3A_150 : i32
    scf.if %cond3A_151 {
      %gt3A_195 = arith.constant 0 : i32
      %gt3A_196 = arith.cmpi sgt, %select_n3A, %gt3A_195 : i32
      %convert_element_type3A_197 = arith.extui %gt3A_196 : i1 to i32
      %cond3A_198 = arith.constant 0 : i32
      %cond3A_199 = arith.cmpi ne, %convert_element_type3A_197, %cond3A_198 : i32
      scf.if %cond3A_199 {
        %dma_start3A = arith.constant 0 : i32
        %dma_start3A_208 = arith.constant 0 : i32
        %dma_start3A_209 = tpu.memref_slice %arg10[%dma_start3A, %dma_start3A_208] : memref<32x16xi32, #tpu.memory_space<vmem>> -> memref<1x16xi32, #tpu.memory_space<vmem>>
        %dma_start3A_210 = tpu.memref_squeeze %dma_start3A_209 : memref<1x16xi32, #tpu.memory_space<vmem>> -> memref<16xi32, #tpu.memory_space<vmem>>
        %dma_start3A_211 = arith.constant 0 : i32
        %dma_start3A_212 = arith.constant 0 : i32
        %dma_start3A_213 = tpu.memref_slice %arg2[%dma_start3A_211, %dma_start3A_212] : memref<16384x2048xf32, #tpu.memory_space<hbm>> -> memref<16384x2048xf32, #tpu.memory_space<hbm>>
        tpu.enqueue_indirect_dma source(%dma_start3A_213 : memref<16384x2048xf32, #tpu.memory_space<hbm>>) target(%arg12 : memref<16x2048xf32, #tpu.memory_space<vmem>>) offsets(%dma_start3A_210 : memref<16xi32, #tpu.memory_space<vmem>>) semaphore(%arg15 : memref<!tpu.dma_semaphore, #tpu.memory_space<semaphore_mem>>)
      } else {
      }
      %le3A_200 = arith.constant 0 : i32
      %le3A_201 = arith.cmpi sle, %select_n3A, %le3A_200 : i32
      %gt3A_202 = arith.constant 0 : i32
      %gt3A_203 = arith.cmpi sgt, %add3A_67, %gt3A_202 : i32
      %and3A_204 = arith.andi %le3A_201, %gt3A_203 : i1
      %convert_element_type3A_205 = arith.extui %and3A_204 : i1 to i32
      %cond3A_206 = arith.constant 0 : i32
      %cond3A_207 = arith.cmpi ne, %convert_element_type3A_205, %cond3A_206 : i32
      scf.if %cond3A_207 {
        %sub3A_208 = arith.constant 0 : i32
        %sub3A_209 = arith.subi %sub3A_208, %select_n3A : i32
        %dma_start3A = arith.constant 0 : i32
        %dma_start3A_210 = tpu.memref_slice %arg11[%sub3A_209, %dma_start3A] : memref<32x16xi32, #tpu.memory_space<vmem>> -> memref<1x16xi32, #tpu.memory_space<vmem>>
        %dma_start3A_211 = tpu.memref_squeeze %dma_start3A_210 : memref<1x16xi32, #tpu.memory_space<vmem>> -> memref<16xi32, #tpu.memory_space<vmem>>
        %dma_start3A_212 = arith.constant 0 : i32
        %dma_start3A_213 = arith.constant 0 : i32
        %dma_start3A_214 = tpu.memref_slice %arg4[%dma_start3A_212, %dma_start3A_213] : memref<16384x2048xf32, #tpu.memory_space<hbm>> -> memref<16384x2048xf32, #tpu.memory_space<hbm>>
        tpu.enqueue_indirect_dma source(%dma_start3A_214 : memref<16384x2048xf32, #tpu.memory_space<hbm>>) target(%arg12 : memref<16x2048xf32, #tpu.memory_space<vmem>>) offsets(%dma_start3A_211 : memref<16xi32, #tpu.memory_space<vmem>>) semaphore(%arg15 : memref<!tpu.dma_semaphore, #tpu.memory_space<semaphore_mem>>)
      } else {
      }
    } else {
    }
    %le3A_152 = arith.constant 1 : i32
    %le3A_153 = arith.cmpi sle, %select_n3A, %le3A_152 : i32
    %convert_element_type3A_154 = arith.extui %le3A_153 : i1 to i32
    %cond3A_155 = arith.constant 0 : i32
    %cond3A_156 = arith.cmpi ne, %convert_element_type3A_154, %cond3A_155 : i32
    scf.if %cond3A_156 {
      %gt3A_195 = arith.constant 1 : i32
      %gt3A_196 = arith.cmpi sgt, %select_n3A, %gt3A_195 : i32
      %convert_element_type3A_197 = arith.extui %gt3A_196 : i1 to i32
      %cond3A_198 = arith.constant 0 : i32
      %cond3A_199 = arith.cmpi ne, %convert_element_type3A_197, %cond3A_198 : i32
      scf.if %cond3A_199 {
        %dma_start3A = arith.constant 1 : i32
        %dma_start3A_208 = arith.constant 0 : i32
        %dma_start3A_209 = tpu.memref_slice %arg10[%dma_start3A, %dma_start3A_208] : memref<32x16xi32, #tpu.memory_space<vmem>> -> memref<1x16xi32, #tpu.memory_space<vmem>>
        %dma_start3A_210 = tpu.memref_squeeze %dma_start3A_209 : memref<1x16xi32, #tpu.memory_space<vmem>> -> memref<16xi32, #tpu.memory_space<vmem>>
        %dma_start3A_211 = arith.constant 0 : i32
        %dma_start3A_212 = arith.constant 0 : i32
        %dma_start3A_213 = tpu.memref_slice %arg2[%dma_start3A_211, %dma_start3A_212] : memref<16384x2048xf32, #tpu.memory_space<hbm>> -> memref<16384x2048xf32, #tpu.memory_space<hbm>>
        tpu.enqueue_indirect_dma source(%dma_start3A_213 : memref<16384x2048xf32, #tpu.memory_space<hbm>>) target(%arg13 : memref<16x2048xf32, #tpu.memory_space<vmem>>) offsets(%dma_start3A_210 : memref<16xi32, #tpu.memory_space<vmem>>) semaphore(%arg16 : memref<!tpu.dma_semaphore, #tpu.memory_space<semaphore_mem>>)
      } else {
      }
      %le3A_200 = arith.constant 1 : i32
      %le3A_201 = arith.cmpi sle, %select_n3A, %le3A_200 : i32
      %gt3A_202 = arith.constant 1 : i32
      %gt3A_203 = arith.cmpi sgt, %add3A_67, %gt3A_202 : i32
      %and3A_204 = arith.andi %le3A_201, %gt3A_203 : i1
      %convert_element_type3A_205 = arith.extui %and3A_204 : i1 to i32
      %cond3A_206 = arith.constant 0 : i32
      %cond3A_207 = arith.cmpi ne, %convert_element_type3A_205, %cond3A_206 : i32
      scf.if %cond3A_207 {
        %sub3A_208 = arith.constant 1 : i32
        %sub3A_209 = arith.subi %sub3A_208, %select_n3A : i32
        %dma_start3A = arith.constant 0 : i32
        %dma_start3A_210 = tpu.memref_slice %arg11[%sub3A_209, %dma_start3A] : memref<32x16xi32, #tpu.memory_space<vmem>> -> memref<1x16xi32, #tpu.memory_space<vmem>>
        %dma_start3A_211 = tpu.memref_squeeze %dma_start3A_210 : memref<1x16xi32, #tpu.memory_space<vmem>> -> memref<16xi32, #tpu.memory_space<vmem>>
        %dma_start3A_212 = arith.constant 0 : i32
        %dma_start3A_213 = arith.constant 0 : i32
        %dma_start3A_214 = tpu.memref_slice %arg4[%dma_start3A_212, %dma_start3A_213] : memref<16384x2048xf32, #tpu.memory_space<hbm>> -> memref<16384x2048xf32, #tpu.memory_space<hbm>>
        tpu.enqueue_indirect_dma source(%dma_start3A_214 : memref<16384x2048xf32, #tpu.memory_space<hbm>>) target(%arg13 : memref<16x2048xf32, #tpu.memory_space<vmem>>) offsets(%dma_start3A_211 : memref<16xi32, #tpu.memory_space<vmem>>) semaphore(%arg16 : memref<!tpu.dma_semaphore, #tpu.memory_space<semaphore_mem>>)
      } else {
      }
    } else {
    }
    %add3A_157 = arith.constant 2 : i32
    %add3A_158 = arith.addi %add3A_67, %add3A_157 : i32
    %jit3A_159 = arith.constant 3 : i32
    %div3A_160 = arith.divsi %add3A_158, %jit3A_159 : i32
    %sign3A_161 = arith.constant 0 : i32
    %sign3A_162 = arith.cmpi sgt, %add3A_158, %sign3A_161 : i32
    %sign3A_163 = arith.extui %sign3A_162 : i1 to i32
    %sign3A_164 = arith.constant 0 : i32
    %sign3A_165 = arith.cmpi slt, %add3A_158, %sign3A_164 : i32
    %sign3A_166 = arith.extui %sign3A_165 : i1 to i32
    %sign3A_167 = arith.subi %sign3A_163, %sign3A_166 : i32
    %sign3A_168 = arith.constant 0 : i32
    %sign3A_169 = arith.cmpi sgt, %jit3A_159, %sign3A_168 : i32
    %sign3A_170 = arith.extui %sign3A_169 : i1 to i32
    %sign3A_171 = arith.constant 0 : i32
    %sign3A_172 = arith.cmpi slt, %jit3A_159, %sign3A_171 : i32
    %sign3A_173 = arith.extui %sign3A_172 : i1 to i32
    %sign3A_174 = arith.subi %sign3A_170, %sign3A_173 : i32
    %ne3A_175 = arith.cmpi ne, %sign3A_167, %sign3A_174 : i32
    %rem3A_176 = arith.remsi %add3A_158, %jit3A_159 : i32
    %ne3A_177 = arith.constant 0 : i32
    %ne3A_178 = arith.cmpi ne, %rem3A_176, %ne3A_177 : i32
    %and3A_179 = arith.andi %ne3A_175, %ne3A_178 : i1
    %sub3A_180 = arith.constant 1 : i32
    %sub3A_181 = arith.subi %div3A_160, %sub3A_180 : i32
    %select_n3A_182 = arith.select %and3A_179, %sub3A_181, %div3A_160 : i32
    %add3A_183 = arith.constant 1 : i32
    %add3A_184 = arith.addi %select_n3A_182, %add3A_183 : i32
    %while3A_185 = arith.constant 0 : i32
    %while3A_186 = arith.constant 0 : i32
    %while3A_187 = arith.subi %add3A_184, %while3A_186 : i32
    %while3A_188 = arith.addi %while3A_186, %while3A_187 : i32
    %while3A_189 = arith.constant 1 : i32
    %while3A_190 = arith.divsi %while3A_187, %while3A_189 : i32
    %while3A_191 = arith.muli %while3A_190, %while3A_189 : i32
    %while3A_192 = arith.addi %while3A_186, %while3A_191 : i32
    %while3A_193 = arith.constant 1 : i32
    scf.for %while3A_195 = %while3A_186 to %while3A_192 step %while3A_193  : i32 {
      %mul3A_196 = arith.constant 3 : i32
      %mul3A_197 = arith.muli %mul3A_196, %while3A_195 : i32
      %add3A_198 = arith.constant 0 : i32
      %add3A_199 = arith.addi %mul3A_197, %add3A_198 : i32
      %lt3A = arith.cmpi slt, %add3A_199, %add3A_67 : i32
      %convert_element_type3A_200 = arith.extui %lt3A : i1 to i32
      %cond3A_201 = arith.constant 0 : i32
      %cond3A_202 = arith.cmpi ne, %convert_element_type3A_200, %cond3A_201 : i32
      scf.if %cond3A_202 {
        %dma_wait3A = arith.constant 0 : i32
        %dma_wait3A_257 = arith.constant 0 : i32
        %dma_wait3A_258 = tpu.memref_slice %arg11[%dma_wait3A, %dma_wait3A_257] : memref<32x16xi32, #tpu.memory_space<vmem>> -> memref<1x16xi32, #tpu.memory_space<vmem>>
        %dma_wait3A_259 = tpu.memref_squeeze %dma_wait3A_258 : memref<1x16xi32, #tpu.memory_space<vmem>> -> memref<16xi32, #tpu.memory_space<vmem>>
        %dma_wait3A_260 = arith.constant 0 : i32
        %dma_wait3A_261 = arith.constant 0 : i32
        %dma_wait3A_262 = tpu.memref_slice %arg4[%dma_wait3A_260, %dma_wait3A_261] : memref<16384x2048xf32, #tpu.memory_space<hbm>> -> memref<16384x2048xf32, #tpu.memory_space<hbm>>
        tpu.wait_indirect_dma semaphore(%arg15 : memref<!tpu.dma_semaphore, #tpu.memory_space<semaphore_mem>>) src(%dma_wait3A_262 : memref<16384x2048xf32, #tpu.memory_space<hbm>>) dst(%arg12 : memref<16x2048xf32, #tpu.memory_space<vmem>>)
        %lt3A_263 = arith.cmpi slt, %add3A_199, %select_n3A : i32
        %convert_element_type3A_264 = arith.extui %lt3A_263 : i1 to i32
        %cond3A_265 = arith.constant 0 : i32
        %cond3A_266 = arith.cmpi ne, %convert_element_type3A_264, %cond3A_265 : i32
        scf.if %cond3A_266 {
          %dma_start3A = arith.constant 0 : i32
          %dma_start3A_271 = tpu.memref_slice %arg10[%add3A_199, %dma_start3A] : memref<32x16xi32, #tpu.memory_space<vmem>> -> memref<1x16xi32, #tpu.memory_space<vmem>>
          %dma_start3A_272 = tpu.memref_squeeze %dma_start3A_271 : memref<1x16xi32, #tpu.memory_space<vmem>> -> memref<16xi32, #tpu.memory_space<vmem>>
          %dma_start3A_273 = arith.constant 0 : i32
          %dma_start3A_274 = arith.constant 0 : i32
          %dma_start3A_275 = tpu.memref_slice %arg5[%dma_start3A_273, %dma_start3A_274] : memref<16384x2048xf32, #tpu.memory_space<hbm>> -> memref<16384x2048xf32, #tpu.memory_space<hbm>>
          tpu.enqueue_indirect_dma source(%arg12 : memref<16x2048xf32, #tpu.memory_space<vmem>>) target(%dma_start3A_275 : memref<16384x2048xf32, #tpu.memory_space<hbm>>) offsets(%dma_start3A_272 : memref<16xi32, #tpu.memory_space<vmem>>) semaphore(%arg18 : memref<!tpu.dma_semaphore, #tpu.memory_space<semaphore_mem>>)
        } else {
        }
        %ge3A_267 = arith.cmpi sge, %add3A_199, %select_n3A : i32
        %convert_element_type3A_268 = arith.extui %ge3A_267 : i1 to i32
        %cond3A_269 = arith.constant 0 : i32
        %cond3A_270 = arith.cmpi ne, %convert_element_type3A_268, %cond3A_269 : i32
        scf.if %cond3A_270 {
          %sub3A_271 = arith.subi %add3A_199, %select_n3A : i32
          %dma_start3A = arith.constant 0 : i32
          %dma_start3A_272 = tpu.memref_slice %arg9[%sub3A_271, %dma_start3A] : memref<32x16xi32, #tpu.memory_space<vmem>> -> memref<1x16xi32, #tpu.memory_space<vmem>>
          %dma_start3A_273 = tpu.memref_squeeze %dma_start3A_272 : memref<1x16xi32, #tpu.memory_space<vmem>> -> memref<16xi32, #tpu.memory_space<vmem>>
          %dma_start3A_274 = arith.constant 0 : i32
          %dma_start3A_275 = arith.constant 0 : i32
          %dma_start3A_276 = tpu.memref_slice %arg5[%dma_start3A_274, %dma_start3A_275] : memref<16384x2048xf32, #tpu.memory_space<hbm>> -> memref<16384x2048xf32, #tpu.memory_space<hbm>>
          tpu.enqueue_indirect_dma source(%arg12 : memref<16x2048xf32, #tpu.memory_space<vmem>>) target(%dma_start3A_276 : memref<16384x2048xf32, #tpu.memory_space<hbm>>) offsets(%dma_start3A_273 : memref<16xi32, #tpu.memory_space<vmem>>) semaphore(%arg18 : memref<!tpu.dma_semaphore, #tpu.memory_space<semaphore_mem>>)
        } else {
        }
      } else {
      }
      %ge3A = arith.constant 1 : i32
      %ge3A_203 = arith.cmpi sge, %add3A_199, %ge3A : i32
      %le3A_204 = arith.cmpi sle, %add3A_199, %add3A_67 : i32
      %and3A_205 = arith.andi %ge3A_203, %le3A_204 : i1
      %convert_element_type3A_206 = arith.extui %and3A_205 : i1 to i32
      %cond3A_207 = arith.constant 0 : i32
      %cond3A_208 = arith.cmpi ne, %convert_element_type3A_206, %cond3A_207 : i32
      scf.if %cond3A_208 {
        %dma_wait3A = arith.constant 0 : i32
        %dma_wait3A_257 = arith.constant 0 : i32
        %dma_wait3A_258 = tpu.memref_slice %arg9[%dma_wait3A, %dma_wait3A_257] : memref<32x16xi32, #tpu.memory_space<vmem>> -> memref<1x16xi32, #tpu.memory_space<vmem>>
        %dma_wait3A_259 = tpu.memref_squeeze %dma_wait3A_258 : memref<1x16xi32, #tpu.memory_space<vmem>> -> memref<16xi32, #tpu.memory_space<vmem>>
        %dma_wait3A_260 = arith.constant 0 : i32
        %dma_wait3A_261 = arith.constant 0 : i32
        %dma_wait3A_262 = tpu.memref_slice %arg5[%dma_wait3A_260, %dma_wait3A_261] : memref<16384x2048xf32, #tpu.memory_space<hbm>> -> memref<16384x2048xf32, #tpu.memory_space<hbm>>
        tpu.wait_indirect_dma semaphore(%arg20 : memref<!tpu.dma_semaphore, #tpu.memory_space<semaphore_mem>>) src(%arg14 : memref<16x2048xf32, #tpu.memory_space<vmem>>) dst(%dma_wait3A_262 : memref<16384x2048xf32, #tpu.memory_space<hbm>>)
      } else {
      }
      %add3A_209 = arith.constant 2 : i32
      %add3A_210 = arith.addi %add3A_199, %add3A_209 : i32
      %lt3A_211 = arith.cmpi slt, %add3A_210, %add3A_67 : i32
      %convert_element_type3A_212 = arith.extui %lt3A_211 : i1 to i32
      %cond3A_213 = arith.constant 0 : i32
      %cond3A_214 = arith.cmpi ne, %convert_element_type3A_212, %cond3A_213 : i32
      scf.if %cond3A_214 {
        %add3A_257 = arith.constant 2 : i32
        %add3A_258 = arith.addi %add3A_199, %add3A_257 : i32
        %lt3A_259 = arith.cmpi slt, %add3A_258, %select_n3A : i32
        %convert_element_type3A_260 = arith.extui %lt3A_259 : i1 to i32
        %cond3A_261 = arith.constant 0 : i32
        %cond3A_262 = arith.cmpi ne, %convert_element_type3A_260, %cond3A_261 : i32
        scf.if %cond3A_262 {
          %dma_start3A = arith.constant 0 : i32
          %dma_start3A_269 = tpu.memref_slice %arg10[%add3A_258, %dma_start3A] : memref<32x16xi32, #tpu.memory_space<vmem>> -> memref<1x16xi32, #tpu.memory_space<vmem>>
          %dma_start3A_270 = tpu.memref_squeeze %dma_start3A_269 : memref<1x16xi32, #tpu.memory_space<vmem>> -> memref<16xi32, #tpu.memory_space<vmem>>
          %dma_start3A_271 = arith.constant 0 : i32
          %dma_start3A_272 = arith.constant 0 : i32
          %dma_start3A_273 = tpu.memref_slice %arg2[%dma_start3A_271, %dma_start3A_272] : memref<16384x2048xf32, #tpu.memory_space<hbm>> -> memref<16384x2048xf32, #tpu.memory_space<hbm>>
          tpu.enqueue_indirect_dma source(%dma_start3A_273 : memref<16384x2048xf32, #tpu.memory_space<hbm>>) target(%arg14 : memref<16x2048xf32, #tpu.memory_space<vmem>>) offsets(%dma_start3A_270 : memref<16xi32, #tpu.memory_space<vmem>>) semaphore(%arg17 : memref<!tpu.dma_semaphore, #tpu.memory_space<semaphore_mem>>)
        } else {
        }
        %ge3A_263 = arith.cmpi sge, %add3A_258, %select_n3A : i32
        %lt3A_264 = arith.cmpi slt, %add3A_258, %add3A_67 : i32
        %and3A_265 = arith.andi %ge3A_263, %lt3A_264 : i1
        %convert_element_type3A_266 = arith.extui %and3A_265 : i1 to i32
        %cond3A_267 = arith.constant 0 : i32
        %cond3A_268 = arith.cmpi ne, %convert_element_type3A_266, %cond3A_267 : i32
        scf.if %cond3A_268 {
          %sub3A_269 = arith.subi %add3A_258, %select_n3A : i32
          %dma_start3A = arith.constant 0 : i32
          %dma_start3A_270 = tpu.memref_slice %arg11[%sub3A_269, %dma_start3A] : memref<32x16xi32, #tpu.memory_space<vmem>> -> memref<1x16xi32, #tpu.memory_space<vmem>>
          %dma_start3A_271 = tpu.memref_squeeze %dma_start3A_270 : memref<1x16xi32, #tpu.memory_space<vmem>> -> memref<16xi32, #tpu.memory_space<vmem>>
          %dma_start3A_272 = arith.constant 0 : i32
          %dma_start3A_273 = arith.constant 0 : i32
          %dma_start3A_274 = tpu.memref_slice %arg4[%dma_start3A_272, %dma_start3A_273] : memref<16384x2048xf32, #tpu.memory_space<hbm>> -> memref<16384x2048xf32, #tpu.memory_space<hbm>>
          tpu.enqueue_indirect_dma source(%dma_start3A_274 : memref<16384x2048xf32, #tpu.memory_space<hbm>>) target(%arg14 : memref<16x2048xf32, #tpu.memory_space<vmem>>) offsets(%dma_start3A_271 : memref<16xi32, #tpu.memory_space<vmem>>) semaphore(%arg17 : memref<!tpu.dma_semaphore, #tpu.memory_space<semaphore_mem>>)
        } else {
        }
      } else {
      }
      %mul3A_215 = arith.constant 3 : i32
      %mul3A_216 = arith.muli %mul3A_215, %while3A_195 : i32
      %add3A_217 = arith.constant 1 : i32
      %add3A_218 = arith.addi %mul3A_216, %add3A_217 : i32
      %lt3A_219 = arith.cmpi slt, %add3A_218, %add3A_67 : i32
      %convert_element_type3A_220 = arith.extui %lt3A_219 : i1 to i32
      %cond3A_221 = arith.constant 0 : i32
      %cond3A_222 = arith.cmpi ne, %convert_element_type3A_220, %cond3A_221 : i32
      scf.if %cond3A_222 {
        %dma_wait3A = arith.constant 0 : i32
        %dma_wait3A_257 = arith.constant 0 : i32
        %dma_wait3A_258 = tpu.memref_slice %arg11[%dma_wait3A, %dma_wait3A_257] : memref<32x16xi32, #tpu.memory_space<vmem>> -> memref<1x16xi32, #tpu.memory_space<vmem>>
        %dma_wait3A_259 = tpu.memref_squeeze %dma_wait3A_258 : memref<1x16xi32, #tpu.memory_space<vmem>> -> memref<16xi32, #tpu.memory_space<vmem>>
        %dma_wait3A_260 = arith.constant 0 : i32
        %dma_wait3A_261 = arith.constant 0 : i32
        %dma_wait3A_262 = tpu.memref_slice %arg4[%dma_wait3A_260, %dma_wait3A_261] : memref<16384x2048xf32, #tpu.memory_space<hbm>> -> memref<16384x2048xf32, #tpu.memory_space<hbm>>
        tpu.wait_indirect_dma semaphore(%arg16 : memref<!tpu.dma_semaphore, #tpu.memory_space<semaphore_mem>>) src(%dma_wait3A_262 : memref<16384x2048xf32, #tpu.memory_space<hbm>>) dst(%arg13 : memref<16x2048xf32, #tpu.memory_space<vmem>>)
        %lt3A_263 = arith.cmpi slt, %add3A_218, %select_n3A : i32
        %convert_element_type3A_264 = arith.extui %lt3A_263 : i1 to i32
        %cond3A_265 = arith.constant 0 : i32
        %cond3A_266 = arith.cmpi ne, %convert_element_type3A_264, %cond3A_265 : i32
        scf.if %cond3A_266 {
          %dma_start3A = arith.constant 0 : i32
          %dma_start3A_271 = tpu.memref_slice %arg10[%add3A_218, %dma_start3A] : memref<32x16xi32, #tpu.memory_space<vmem>> -> memref<1x16xi32, #tpu.memory_space<vmem>>
          %dma_start3A_272 = tpu.memref_squeeze %dma_start3A_271 : memref<1x16xi32, #tpu.memory_space<vmem>> -> memref<16xi32, #tpu.memory_space<vmem>>
          %dma_start3A_273 = arith.constant 0 : i32
          %dma_start3A_274 = arith.constant 0 : i32
          %dma_start3A_275 = tpu.memref_slice %arg5[%dma_start3A_273, %dma_start3A_274] : memref<16384x2048xf32, #tpu.memory_space<hbm>> -> memref<16384x2048xf32, #tpu.memory_space<hbm>>
          tpu.enqueue_indirect_dma source(%arg13 : memref<16x2048xf32, #tpu.memory_space<vmem>>) target(%dma_start3A_275 : memref<16384x2048xf32, #tpu.memory_space<hbm>>) offsets(%dma_start3A_272 : memref<16xi32, #tpu.memory_space<vmem>>) semaphore(%arg19 : memref<!tpu.dma_semaphore, #tpu.memory_space<semaphore_mem>>)
        } else {
        }
        %ge3A_267 = arith.cmpi sge, %add3A_218, %select_n3A : i32
        %convert_element_type3A_268 = arith.extui %ge3A_267 : i1 to i32
        %cond3A_269 = arith.constant 0 : i32
        %cond3A_270 = arith.cmpi ne, %convert_element_type3A_268, %cond3A_269 : i32
        scf.if %cond3A_270 {
          %sub3A_271 = arith.subi %add3A_218, %select_n3A : i32
          %dma_start3A = arith.constant 0 : i32
          %dma_start3A_272 = tpu.memref_slice %arg9[%sub3A_271, %dma_start3A] : memref<32x16xi32, #tpu.memory_space<vmem>> -> memref<1x16xi32, #tpu.memory_space<vmem>>
          %dma_start3A_273 = tpu.memref_squeeze %dma_start3A_272 : memref<1x16xi32, #tpu.memory_space<vmem>> -> memref<16xi32, #tpu.memory_space<vmem>>
          %dma_start3A_274 = arith.constant 0 : i32
          %dma_start3A_275 = arith.constant 0 : i32
          %dma_start3A_276 = tpu.memref_slice %arg5[%dma_start3A_274, %dma_start3A_275] : memref<16384x2048xf32, #tpu.memory_space<hbm>> -> memref<16384x2048xf32, #tpu.memory_space<hbm>>
          tpu.enqueue_indirect_dma source(%arg13 : memref<16x2048xf32, #tpu.memory_space<vmem>>) target(%dma_start3A_276 : memref<16384x2048xf32, #tpu.memory_space<hbm>>) offsets(%dma_start3A_273 : memref<16xi32, #tpu.memory_space<vmem>>) semaphore(%arg19 : memref<!tpu.dma_semaphore, #tpu.memory_space<semaphore_mem>>)
        } else {
        }
      } else {
      }
      %ge3A_223 = arith.constant 1 : i32
      %ge3A_224 = arith.cmpi sge, %add3A_218, %ge3A_223 : i32
      %le3A_225 = arith.cmpi sle, %add3A_218, %add3A_67 : i32
      %and3A_226 = arith.andi %ge3A_224, %le3A_225 : i1
      %convert_element_type3A_227 = arith.extui %and3A_226 : i1 to i32
      %cond3A_228 = arith.constant 0 : i32
      %cond3A_229 = arith.cmpi ne, %convert_element_type3A_227, %cond3A_228 : i32
      scf.if %cond3A_229 {
        %dma_wait3A = arith.constant 0 : i32
        %dma_wait3A_257 = arith.constant 0 : i32
        %dma_wait3A_258 = tpu.memref_slice %arg9[%dma_wait3A, %dma_wait3A_257] : memref<32x16xi32, #tpu.memory_space<vmem>> -> memref<1x16xi32, #tpu.memory_space<vmem>>
        %dma_wait3A_259 = tpu.memref_squeeze %dma_wait3A_258 : memref<1x16xi32, #tpu.memory_space<vmem>> -> memref<16xi32, #tpu.memory_space<vmem>>
        %dma_wait3A_260 = arith.constant 0 : i32
        %dma_wait3A_261 = arith.constant 0 : i32
        %dma_wait3A_262 = tpu.memref_slice %arg5[%dma_wait3A_260, %dma_wait3A_261] : memref<16384x2048xf32, #tpu.memory_space<hbm>> -> memref<16384x2048xf32, #tpu.memory_space<hbm>>
        tpu.wait_indirect_dma semaphore(%arg18 : memref<!tpu.dma_semaphore, #tpu.memory_space<semaphore_mem>>) src(%arg12 : memref<16x2048xf32, #tpu.memory_space<vmem>>) dst(%dma_wait3A_262 : memref<16384x2048xf32, #tpu.memory_space<hbm>>)
      } else {
      }
      %add3A_230 = arith.constant 2 : i32
      %add3A_231 = arith.addi %add3A_218, %add3A_230 : i32
      %lt3A_232 = arith.cmpi slt, %add3A_231, %add3A_67 : i32
      %convert_element_type3A_233 = arith.extui %lt3A_232 : i1 to i32
      %cond3A_234 = arith.constant 0 : i32
      %cond3A_235 = arith.cmpi ne, %convert_element_type3A_233, %cond3A_234 : i32
      scf.if %cond3A_235 {
        %add3A_257 = arith.constant 2 : i32
        %add3A_258 = arith.addi %add3A_218, %add3A_257 : i32
        %lt3A_259 = arith.cmpi slt, %add3A_258, %select_n3A : i32
        %convert_element_type3A_260 = arith.extui %lt3A_259 : i1 to i32
        %cond3A_261 = arith.constant 0 : i32
        %cond3A_262 = arith.cmpi ne, %convert_element_type3A_260, %cond3A_261 : i32
        scf.if %cond3A_262 {
          %dma_start3A = arith.constant 0 : i32
          %dma_start3A_269 = tpu.memref_slice %arg10[%add3A_258, %dma_start3A] : memref<32x16xi32, #tpu.memory_space<vmem>> -> memref<1x16xi32, #tpu.memory_space<vmem>>
          %dma_start3A_270 = tpu.memref_squeeze %dma_start3A_269 : memref<1x16xi32, #tpu.memory_space<vmem>> -> memref<16xi32, #tpu.memory_space<vmem>>
          %dma_start3A_271 = arith.constant 0 : i32
          %dma_start3A_272 = arith.constant 0 : i32
          %dma_start3A_273 = tpu.memref_slice %arg2[%dma_start3A_271, %dma_start3A_272] : memref<16384x2048xf32, #tpu.memory_space<hbm>> -> memref<16384x2048xf32, #tpu.memory_space<hbm>>
          tpu.enqueue_indirect_dma source(%dma_start3A_273 : memref<16384x2048xf32, #tpu.memory_space<hbm>>) target(%arg12 : memref<16x2048xf32, #tpu.memory_space<vmem>>) offsets(%dma_start3A_270 : memref<16xi32, #tpu.memory_space<vmem>>) semaphore(%arg15 : memref<!tpu.dma_semaphore, #tpu.memory_space<semaphore_mem>>)
        } else {
        }
        %ge3A_263 = arith.cmpi sge, %add3A_258, %select_n3A : i32
        %lt3A_264 = arith.cmpi slt, %add3A_258, %add3A_67 : i32
        %and3A_265 = arith.andi %ge3A_263, %lt3A_264 : i1
        %convert_element_type3A_266 = arith.extui %and3A_265 : i1 to i32
        %cond3A_267 = arith.constant 0 : i32
        %cond3A_268 = arith.cmpi ne, %convert_element_type3A_266, %cond3A_267 : i32
        scf.if %cond3A_268 {
          %sub3A_269 = arith.subi %add3A_258, %select_n3A : i32
          %dma_start3A = arith.constant 0 : i32
          %dma_start3A_270 = tpu.memref_slice %arg11[%sub3A_269, %dma_start3A] : memref<32x16xi32, #tpu.memory_space<vmem>> -> memref<1x16xi32, #tpu.memory_space<vmem>>
          %dma_start3A_271 = tpu.memref_squeeze %dma_start3A_270 : memref<1x16xi32, #tpu.memory_space<vmem>> -> memref<16xi32, #tpu.memory_space<vmem>>
          %dma_start3A_272 = arith.constant 0 : i32
          %dma_start3A_273 = arith.constant 0 : i32
          %dma_start3A_274 = tpu.memref_slice %arg4[%dma_start3A_272, %dma_start3A_273] : memref<16384x2048xf32, #tpu.memory_space<hbm>> -> memref<16384x2048xf32, #tpu.memory_space<hbm>>
          tpu.enqueue_indirect_dma source(%dma_start3A_274 : memref<16384x2048xf32, #tpu.memory_space<hbm>>) target(%arg12 : memref<16x2048xf32, #tpu.memory_space<vmem>>) offsets(%dma_start3A_271 : memref<16xi32, #tpu.memory_space<vmem>>) semaphore(%arg15 : memref<!tpu.dma_semaphore, #tpu.memory_space<semaphore_mem>>)
        } else {
        }
      } else {
      }
      %mul3A_236 = arith.constant 3 : i32
      %mul3A_237 = arith.muli %mul3A_236, %while3A_195 : i32
      %add3A_238 = arith.constant 2 : i32
      %add3A_239 = arith.addi %mul3A_237, %add3A_238 : i32
      %lt3A_240 = arith.cmpi slt, %add3A_239, %add3A_67 : i32
      %convert_element_type3A_241 = arith.extui %lt3A_240 : i1 to i32
      %cond3A_242 = arith.constant 0 : i32
      %cond3A_243 = arith.cmpi ne, %convert_element_type3A_241, %cond3A_242 : i32
      scf.if %cond3A_243 {
        %dma_wait3A = arith.constant 0 : i32
        %dma_wait3A_257 = arith.constant 0 : i32
        %dma_wait3A_258 = tpu.memref_slice %arg11[%dma_wait3A, %dma_wait3A_257] : memref<32x16xi32, #tpu.memory_space<vmem>> -> memref<1x16xi32, #tpu.memory_space<vmem>>
        %dma_wait3A_259 = tpu.memref_squeeze %dma_wait3A_258 : memref<1x16xi32, #tpu.memory_space<vmem>> -> memref<16xi32, #tpu.memory_space<vmem>>
        %dma_wait3A_260 = arith.constant 0 : i32
        %dma_wait3A_261 = arith.constant 0 : i32
        %dma_wait3A_262 = tpu.memref_slice %arg4[%dma_wait3A_260, %dma_wait3A_261] : memref<16384x2048xf32, #tpu.memory_space<hbm>> -> memref<16384x2048xf32, #tpu.memory_space<hbm>>
        tpu.wait_indirect_dma semaphore(%arg17 : memref<!tpu.dma_semaphore, #tpu.memory_space<semaphore_mem>>) src(%dma_wait3A_262 : memref<16384x2048xf32, #tpu.memory_space<hbm>>) dst(%arg14 : memref<16x2048xf32, #tpu.memory_space<vmem>>)
        %lt3A_263 = arith.cmpi slt, %add3A_239, %select_n3A : i32
        %convert_element_type3A_264 = arith.extui %lt3A_263 : i1 to i32
        %cond3A_265 = arith.constant 0 : i32
        %cond3A_266 = arith.cmpi ne, %convert_element_type3A_264, %cond3A_265 : i32
        scf.if %cond3A_266 {
          %dma_start3A = arith.constant 0 : i32
          %dma_start3A_271 = tpu.memref_slice %arg10[%add3A_239, %dma_start3A] : memref<32x16xi32, #tpu.memory_space<vmem>> -> memref<1x16xi32, #tpu.memory_space<vmem>>
          %dma_start3A_272 = tpu.memref_squeeze %dma_start3A_271 : memref<1x16xi32, #tpu.memory_space<vmem>> -> memref<16xi32, #tpu.memory_space<vmem>>
          %dma_start3A_273 = arith.constant 0 : i32
          %dma_start3A_274 = arith.constant 0 : i32
          %dma_start3A_275 = tpu.memref_slice %arg5[%dma_start3A_273, %dma_start3A_274] : memref<16384x2048xf32, #tpu.memory_space<hbm>> -> memref<16384x2048xf32, #tpu.memory_space<hbm>>
          tpu.enqueue_indirect_dma source(%arg14 : memref<16x2048xf32, #tpu.memory_space<vmem>>) target(%dma_start3A_275 : memref<16384x2048xf32, #tpu.memory_space<hbm>>) offsets(%dma_start3A_272 : memref<16xi32, #tpu.memory_space<vmem>>) semaphore(%arg20 : memref<!tpu.dma_semaphore, #tpu.memory_space<semaphore_mem>>)
        } else {
        }
        %ge3A_267 = arith.cmpi sge, %add3A_239, %select_n3A : i32
        %convert_element_type3A_268 = arith.extui %ge3A_267 : i1 to i32
        %cond3A_269 = arith.constant 0 : i32
        %cond3A_270 = arith.cmpi ne, %convert_element_type3A_268, %cond3A_269 : i32
        scf.if %cond3A_270 {
          %sub3A_271 = arith.subi %add3A_239, %select_n3A : i32
          %dma_start3A = arith.constant 0 : i32
          %dma_start3A_272 = tpu.memref_slice %arg9[%sub3A_271, %dma_start3A] : memref<32x16xi32, #tpu.memory_space<vmem>> -> memref<1x16xi32, #tpu.memory_space<vmem>>
          %dma_start3A_273 = tpu.memref_squeeze %dma_start3A_272 : memref<1x16xi32, #tpu.memory_space<vmem>> -> memref<16xi32, #tpu.memory_space<vmem>>
          %dma_start3A_274 = arith.constant 0 : i32
          %dma_start3A_275 = arith.constant 0 : i32
          %dma_start3A_276 = tpu.memref_slice %arg5[%dma_start3A_274, %dma_start3A_275] : memref<16384x2048xf32, #tpu.memory_space<hbm>> -> memref<16384x2048xf32, #tpu.memory_space<hbm>>
          tpu.enqueue_indirect_dma source(%arg14 : memref<16x2048xf32, #tpu.memory_space<vmem>>) target(%dma_start3A_276 : memref<16384x2048xf32, #tpu.memory_space<hbm>>) offsets(%dma_start3A_273 : memref<16xi32, #tpu.memory_space<vmem>>) semaphore(%arg20 : memref<!tpu.dma_semaphore, #tpu.memory_space<semaphore_mem>>)
        } else {
        }
      } else {
      }
      %ge3A_244 = arith.constant 1 : i32
      %ge3A_245 = arith.cmpi sge, %add3A_239, %ge3A_244 : i32
      %le3A_246 = arith.cmpi sle, %add3A_239, %add3A_67 : i32
      %and3A_247 = arith.andi %ge3A_245, %le3A_246 : i1
      %convert_element_type3A_248 = arith.extui %and3A_247 : i1 to i32
      %cond3A_249 = arith.constant 0 : i32
      %cond3A_250 = arith.cmpi ne, %convert_element_type3A_248, %cond3A_249 : i32
      scf.if %cond3A_250 {
        %dma_wait3A = arith.constant 0 : i32
        %dma_wait3A_257 = arith.constant 0 : i32
        %dma_wait3A_258 = tpu.memref_slice %arg9[%dma_wait3A, %dma_wait3A_257] : memref<32x16xi32, #tpu.memory_space<vmem>> -> memref<1x16xi32, #tpu.memory_space<vmem>>
        %dma_wait3A_259 = tpu.memref_squeeze %dma_wait3A_258 : memref<1x16xi32, #tpu.memory_space<vmem>> -> memref<16xi32, #tpu.memory_space<vmem>>
        %dma_wait3A_260 = arith.constant 0 : i32
        %dma_wait3A_261 = arith.constant 0 : i32
        %dma_wait3A_262 = tpu.memref_slice %arg5[%dma_wait3A_260, %dma_wait3A_261] : memref<16384x2048xf32, #tpu.memory_space<hbm>> -> memref<16384x2048xf32, #tpu.memory_space<hbm>>
        tpu.wait_indirect_dma semaphore(%arg19 : memref<!tpu.dma_semaphore, #tpu.memory_space<semaphore_mem>>) src(%arg13 : memref<16x2048xf32, #tpu.memory_space<vmem>>) dst(%dma_wait3A_262 : memref<16384x2048xf32, #tpu.memory_space<hbm>>)
      } else {
      }
      %add3A_251 = arith.constant 2 : i32
      %add3A_252 = arith.addi %add3A_239, %add3A_251 : i32
      %lt3A_253 = arith.cmpi slt, %add3A_252, %add3A_67 : i32
      %convert_element_type3A_254 = arith.extui %lt3A_253 : i1 to i32
      %cond3A_255 = arith.constant 0 : i32
      %cond3A_256 = arith.cmpi ne, %convert_element_type3A_254, %cond3A_255 : i32
      scf.if %cond3A_256 {
        %add3A_257 = arith.constant 2 : i32
        %add3A_258 = arith.addi %add3A_239, %add3A_257 : i32
        %lt3A_259 = arith.cmpi slt, %add3A_258, %select_n3A : i32
        %convert_element_type3A_260 = arith.extui %lt3A_259 : i1 to i32
        %cond3A_261 = arith.constant 0 : i32
        %cond3A_262 = arith.cmpi ne, %convert_element_type3A_260, %cond3A_261 : i32
        scf.if %cond3A_262 {
          %dma_start3A = arith.constant 0 : i32
          %dma_start3A_269 = tpu.memref_slice %arg10[%add3A_258, %dma_start3A] : memref<32x16xi32, #tpu.memory_space<vmem>> -> memref<1x16xi32, #tpu.memory_space<vmem>>
          %dma_start3A_270 = tpu.memref_squeeze %dma_start3A_269 : memref<1x16xi32, #tpu.memory_space<vmem>> -> memref<16xi32, #tpu.memory_space<vmem>>
          %dma_start3A_271 = arith.constant 0 : i32
          %dma_start3A_272 = arith.constant 0 : i32
          %dma_start3A_273 = tpu.memref_slice %arg2[%dma_start3A_271, %dma_start3A_272] : memref<16384x2048xf32, #tpu.memory_space<hbm>> -> memref<16384x2048xf32, #tpu.memory_space<hbm>>
          tpu.enqueue_indirect_dma source(%dma_start3A_273 : memref<16384x2048xf32, #tpu.memory_space<hbm>>) target(%arg13 : memref<16x2048xf32, #tpu.memory_space<vmem>>) offsets(%dma_start3A_270 : memref<16xi32, #tpu.memory_space<vmem>>) semaphore(%arg16 : memref<!tpu.dma_semaphore, #tpu.memory_space<semaphore_mem>>)
        } else {
        }
        %ge3A_263 = arith.cmpi sge, %add3A_258, %select_n3A : i32
        %lt3A_264 = arith.cmpi slt, %add3A_258, %add3A_67 : i32
        %and3A_265 = arith.andi %ge3A_263, %lt3A_264 : i1
        %convert_element_type3A_266 = arith.extui %and3A_265 : i1 to i32
        %cond3A_267 = arith.constant 0 : i32
        %cond3A_268 = arith.cmpi ne, %convert_element_type3A_266, %cond3A_267 : i32
        scf.if %cond3A_268 {
          %sub3A_269 = arith.subi %add3A_258, %select_n3A : i32
          %dma_start3A = arith.constant 0 : i32
          %dma_start3A_270 = tpu.memref_slice %arg11[%sub3A_269, %dma_start3A] : memref<32x16xi32, #tpu.memory_space<vmem>> -> memref<1x16xi32, #tpu.memory_space<vmem>>
          %dma_start3A_271 = tpu.memref_squeeze %dma_start3A_270 : memref<1x16xi32, #tpu.memory_space<vmem>> -> memref<16xi32, #tpu.memory_space<vmem>>
          %dma_start3A_272 = arith.constant 0 : i32
          %dma_start3A_273 = arith.constant 0 : i32
          %dma_start3A_274 = tpu.memref_slice %arg4[%dma_start3A_272, %dma_start3A_273] : memref<16384x2048xf32, #tpu.memory_space<hbm>> -> memref<16384x2048xf32, #tpu.memory_space<hbm>>
          tpu.enqueue_indirect_dma source(%dma_start3A_274 : memref<16384x2048xf32, #tpu.memory_space<hbm>>) target(%arg13 : memref<16x2048xf32, #tpu.memory_space<vmem>>) offsets(%dma_start3A_271 : memref<16xi32, #tpu.memory_space<vmem>>) semaphore(%arg16 : memref<!tpu.dma_semaphore, #tpu.memory_space<semaphore_mem>>)
        } else {
        }
      } else {
      }
    }
    %while3A_194 = arith.constant 1 : i32
    scf.for %while3A_195 = %while3A_192 to %while3A_188 step %while3A_194  : i32 {
      %mul3A_196 = arith.constant 3 : i32
      %mul3A_197 = arith.muli %mul3A_196, %while3A_195 : i32
      %add3A_198 = arith.constant 0 : i32
      %add3A_199 = arith.addi %mul3A_197, %add3A_198 : i32
      %lt3A = arith.cmpi slt, %add3A_199, %add3A_67 : i32
      %convert_element_type3A_200 = arith.extui %lt3A : i1 to i32
      %cond3A_201 = arith.constant 0 : i32
      %cond3A_202 = arith.cmpi ne, %convert_element_type3A_200, %cond3A_201 : i32
      scf.if %cond3A_202 {
        %dma_wait3A = arith.constant 0 : i32
        %dma_wait3A_257 = arith.constant 0 : i32
        %dma_wait3A_258 = tpu.memref_slice %arg11[%dma_wait3A, %dma_wait3A_257] : memref<32x16xi32, #tpu.memory_space<vmem>> -> memref<1x16xi32, #tpu.memory_space<vmem>>
        %dma_wait3A_259 = tpu.memref_squeeze %dma_wait3A_258 : memref<1x16xi32, #tpu.memory_space<vmem>> -> memref<16xi32, #tpu.memory_space<vmem>>
        %dma_wait3A_260 = arith.constant 0 : i32
        %dma_wait3A_261 = arith.constant 0 : i32
        %dma_wait3A_262 = tpu.memref_slice %arg4[%dma_wait3A_260, %dma_wait3A_261] : memref<16384x2048xf32, #tpu.memory_space<hbm>> -> memref<16384x2048xf32, #tpu.memory_space<hbm>>
        tpu.wait_indirect_dma semaphore(%arg15 : memref<!tpu.dma_semaphore, #tpu.memory_space<semaphore_mem>>) src(%dma_wait3A_262 : memref<16384x2048xf32, #tpu.memory_space<hbm>>) dst(%arg12 : memref<16x2048xf32, #tpu.memory_space<vmem>>)
        %lt3A_263 = arith.cmpi slt, %add3A_199, %select_n3A : i32
        %convert_element_type3A_264 = arith.extui %lt3A_263 : i1 to i32
        %cond3A_265 = arith.constant 0 : i32
        %cond3A_266 = arith.cmpi ne, %convert_element_type3A_264, %cond3A_265 : i32
        scf.if %cond3A_266 {
          %dma_start3A = arith.constant 0 : i32
          %dma_start3A_271 = tpu.memref_slice %arg10[%add3A_199, %dma_start3A] : memref<32x16xi32, #tpu.memory_space<vmem>> -> memref<1x16xi32, #tpu.memory_space<vmem>>
          %dma_start3A_272 = tpu.memref_squeeze %dma_start3A_271 : memref<1x16xi32, #tpu.memory_space<vmem>> -> memref<16xi32, #tpu.memory_space<vmem>>
          %dma_start3A_273 = arith.constant 0 : i32
          %dma_start3A_274 = arith.constant 0 : i32
          %dma_start3A_275 = tpu.memref_slice %arg5[%dma_start3A_273, %dma_start3A_274] : memref<16384x2048xf32, #tpu.memory_space<hbm>> -> memref<16384x2048xf32, #tpu.memory_space<hbm>>
          tpu.enqueue_indirect_dma source(%arg12 : memref<16x2048xf32, #tpu.memory_space<vmem>>) target(%dma_start3A_275 : memref<16384x2048xf32, #tpu.memory_space<hbm>>) offsets(%dma_start3A_272 : memref<16xi32, #tpu.memory_space<vmem>>) semaphore(%arg18 : memref<!tpu.dma_semaphore, #tpu.memory_space<semaphore_mem>>)
        } else {
        }
        %ge3A_267 = arith.cmpi sge, %add3A_199, %select_n3A : i32
        %convert_element_type3A_268 = arith.extui %ge3A_267 : i1 to i32
        %cond3A_269 = arith.constant 0 : i32
        %cond3A_270 = arith.cmpi ne, %convert_element_type3A_268, %cond3A_269 : i32
        scf.if %cond3A_270 {
          %sub3A_271 = arith.subi %add3A_199, %select_n3A : i32
          %dma_start3A = arith.constant 0 : i32
          %dma_start3A_272 = tpu.memref_slice %arg9[%sub3A_271, %dma_start3A] : memref<32x16xi32, #tpu.memory_space<vmem>> -> memref<1x16xi32, #tpu.memory_space<vmem>>
          %dma_start3A_273 = tpu.memref_squeeze %dma_start3A_272 : memref<1x16xi32, #tpu.memory_space<vmem>> -> memref<16xi32, #tpu.memory_space<vmem>>
          %dma_start3A_274 = arith.constant 0 : i32
          %dma_start3A_275 = arith.constant 0 : i32
          %dma_start3A_276 = tpu.memref_slice %arg5[%dma_start3A_274, %dma_start3A_275] : memref<16384x2048xf32, #tpu.memory_space<hbm>> -> memref<16384x2048xf32, #tpu.memory_space<hbm>>
          tpu.enqueue_indirect_dma source(%arg12 : memref<16x2048xf32, #tpu.memory_space<vmem>>) target(%dma_start3A_276 : memref<16384x2048xf32, #tpu.memory_space<hbm>>) offsets(%dma_start3A_273 : memref<16xi32, #tpu.memory_space<vmem>>) semaphore(%arg18 : memref<!tpu.dma_semaphore, #tpu.memory_space<semaphore_mem>>)
        } else {
        }
      } else {
      }
      %ge3A = arith.constant 1 : i32
      %ge3A_203 = arith.cmpi sge, %add3A_199, %ge3A : i32
      %le3A_204 = arith.cmpi sle, %add3A_199, %add3A_67 : i32
      %and3A_205 = arith.andi %ge3A_203, %le3A_204 : i1
      %convert_element_type3A_206 = arith.extui %and3A_205 : i1 to i32
      %cond3A_207 = arith.constant 0 : i32
      %cond3A_208 = arith.cmpi ne, %convert_element_type3A_206, %cond3A_207 : i32
      scf.if %cond3A_208 {
        %dma_wait3A = arith.constant 0 : i32
        %dma_wait3A_257 = arith.constant 0 : i32
        %dma_wait3A_258 = tpu.memref_slice %arg9[%dma_wait3A, %dma_wait3A_257] : memref<32x16xi32, #tpu.memory_space<vmem>> -> memref<1x16xi32, #tpu.memory_space<vmem>>
        %dma_wait3A_259 = tpu.memref_squeeze %dma_wait3A_258 : memref<1x16xi32, #tpu.memory_space<vmem>> -> memref<16xi32, #tpu.memory_space<vmem>>
        %dma_wait3A_260 = arith.constant 0 : i32
        %dma_wait3A_261 = arith.constant 0 : i32
        %dma_wait3A_262 = tpu.memref_slice %arg5[%dma_wait3A_260, %dma_wait3A_261] : memref<16384x2048xf32, #tpu.memory_space<hbm>> -> memref<16384x2048xf32, #tpu.memory_space<hbm>>
        tpu.wait_indirect_dma semaphore(%arg20 : memref<!tpu.dma_semaphore, #tpu.memory_space<semaphore_mem>>) src(%arg14 : memref<16x2048xf32, #tpu.memory_space<vmem>>) dst(%dma_wait3A_262 : memref<16384x2048xf32, #tpu.memory_space<hbm>>)
      } else {
      }
      %add3A_209 = arith.constant 2 : i32
      %add3A_210 = arith.addi %add3A_199, %add3A_209 : i32
      %lt3A_211 = arith.cmpi slt, %add3A_210, %add3A_67 : i32
      %convert_element_type3A_212 = arith.extui %lt3A_211 : i1 to i32
      %cond3A_213 = arith.constant 0 : i32
      %cond3A_214 = arith.cmpi ne, %convert_element_type3A_212, %cond3A_213 : i32
      scf.if %cond3A_214 {
        %add3A_257 = arith.constant 2 : i32
        %add3A_258 = arith.addi %add3A_199, %add3A_257 : i32
        %lt3A_259 = arith.cmpi slt, %add3A_258, %select_n3A : i32
        %convert_element_type3A_260 = arith.extui %lt3A_259 : i1 to i32
        %cond3A_261 = arith.constant 0 : i32
        %cond3A_262 = arith.cmpi ne, %convert_element_type3A_260, %cond3A_261 : i32
        scf.if %cond3A_262 {
          %dma_start3A = arith.constant 0 : i32
          %dma_start3A_269 = tpu.memref_slice %arg10[%add3A_258, %dma_start3A] : memref<32x16xi32, #tpu.memory_space<vmem>> -> memref<1x16xi32, #tpu.memory_space<vmem>>
          %dma_start3A_270 = tpu.memref_squeeze %dma_start3A_269 : memref<1x16xi32, #tpu.memory_space<vmem>> -> memref<16xi32, #tpu.memory_space<vmem>>
          %dma_start3A_271 = arith.constant 0 : i32
          %dma_start3A_272 = arith.constant 0 : i32
          %dma_start3A_273 = tpu.memref_slice %arg2[%dma_start3A_271, %dma_start3A_272] : memref<16384x2048xf32, #tpu.memory_space<hbm>> -> memref<16384x2048xf32, #tpu.memory_space<hbm>>
          tpu.enqueue_indirect_dma source(%dma_start3A_273 : memref<16384x2048xf32, #tpu.memory_space<hbm>>) target(%arg14 : memref<16x2048xf32, #tpu.memory_space<vmem>>) offsets(%dma_start3A_270 : memref<16xi32, #tpu.memory_space<vmem>>) semaphore(%arg17 : memref<!tpu.dma_semaphore, #tpu.memory_space<semaphore_mem>>)
        } else {
        }
        %ge3A_263 = arith.cmpi sge, %add3A_258, %select_n3A : i32
        %lt3A_264 = arith.cmpi slt, %add3A_258, %add3A_67 : i32
        %and3A_265 = arith.andi %ge3A_263, %lt3A_264 : i1
        %convert_element_type3A_266 = arith.extui %and3A_265 : i1 to i32
        %cond3A_267 = arith.constant 0 : i32
        %cond3A_268 = arith.cmpi ne, %convert_element_type3A_266, %cond3A_267 : i32
        scf.if %cond3A_268 {
          %sub3A_269 = arith.subi %add3A_258, %select_n3A : i32
          %dma_start3A = arith.constant 0 : i32
          %dma_start3A_270 = tpu.memref_slice %arg11[%sub3A_269, %dma_start3A] : memref<32x16xi32, #tpu.memory_space<vmem>> -> memref<1x16xi32, #tpu.memory_space<vmem>>
          %dma_start3A_271 = tpu.memref_squeeze %dma_start3A_270 : memref<1x16xi32, #tpu.memory_space<vmem>> -> memref<16xi32, #tpu.memory_space<vmem>>
          %dma_start3A_272 = arith.constant 0 : i32
          %dma_start3A_273 = arith.constant 0 : i32
          %dma_start3A_274 = tpu.memref_slice %arg4[%dma_start3A_272, %dma_start3A_273] : memref<16384x2048xf32, #tpu.memory_space<hbm>> -> memref<16384x2048xf32, #tpu.memory_space<hbm>>
          tpu.enqueue_indirect_dma source(%dma_start3A_274 : memref<16384x2048xf32, #tpu.memory_space<hbm>>) target(%arg14 : memref<16x2048xf32, #tpu.memory_space<vmem>>) offsets(%dma_start3A_271 : memref<16xi32, #tpu.memory_space<vmem>>) semaphore(%arg17 : memref<!tpu.dma_semaphore, #tpu.memory_space<semaphore_mem>>)
        } else {
        }
      } else {
      }
      %mul3A_215 = arith.constant 3 : i32
      %mul3A_216 = arith.muli %mul3A_215, %while3A_195 : i32
      %add3A_217 = arith.constant 1 : i32
      %add3A_218 = arith.addi %mul3A_216, %add3A_217 : i32
      %lt3A_219 = arith.cmpi slt, %add3A_218, %add3A_67 : i32
      %convert_element_type3A_220 = arith.extui %lt3A_219 : i1 to i32
      %cond3A_221 = arith.constant 0 : i32
      %cond3A_222 = arith.cmpi ne, %convert_element_type3A_220, %cond3A_221 : i32
      scf.if %cond3A_222 {
        %dma_wait3A = arith.constant 0 : i32
        %dma_wait3A_257 = arith.constant 0 : i32
        %dma_wait3A_258 = tpu.memref_slice %arg11[%dma_wait3A, %dma_wait3A_257] : memref<32x16xi32, #tpu.memory_space<vmem>> -> memref<1x16xi32, #tpu.memory_space<vmem>>
        %dma_wait3A_259 = tpu.memref_squeeze %dma_wait3A_258 : memref<1x16xi32, #tpu.memory_space<vmem>> -> memref<16xi32, #tpu.memory_space<vmem>>
        %dma_wait3A_260 = arith.constant 0 : i32
        %dma_wait3A_261 = arith.constant 0 : i32
        %dma_wait3A_262 = tpu.memref_slice %arg4[%dma_wait3A_260, %dma_wait3A_261] : memref<16384x2048xf32, #tpu.memory_space<hbm>> -> memref<16384x2048xf32, #tpu.memory_space<hbm>>
        tpu.wait_indirect_dma semaphore(%arg16 : memref<!tpu.dma_semaphore, #tpu.memory_space<semaphore_mem>>) src(%dma_wait3A_262 : memref<16384x2048xf32, #tpu.memory_space<hbm>>) dst(%arg13 : memref<16x2048xf32, #tpu.memory_space<vmem>>)
        %lt3A_263 = arith.cmpi slt, %add3A_218, %select_n3A : i32
        %convert_element_type3A_264 = arith.extui %lt3A_263 : i1 to i32
        %cond3A_265 = arith.constant 0 : i32
        %cond3A_266 = arith.cmpi ne, %convert_element_type3A_264, %cond3A_265 : i32
        scf.if %cond3A_266 {
          %dma_start3A = arith.constant 0 : i32
          %dma_start3A_271 = tpu.memref_slice %arg10[%add3A_218, %dma_start3A] : memref<32x16xi32, #tpu.memory_space<vmem>> -> memref<1x16xi32, #tpu.memory_space<vmem>>
          %dma_start3A_272 = tpu.memref_squeeze %dma_start3A_271 : memref<1x16xi32, #tpu.memory_space<vmem>> -> memref<16xi32, #tpu.memory_space<vmem>>
          %dma_start3A_273 = arith.constant 0 : i32
          %dma_start3A_274 = arith.constant 0 : i32
          %dma_start3A_275 = tpu.memref_slice %arg5[%dma_start3A_273, %dma_start3A_274] : memref<16384x2048xf32, #tpu.memory_space<hbm>> -> memref<16384x2048xf32, #tpu.memory_space<hbm>>
          tpu.enqueue_indirect_dma source(%arg13 : memref<16x2048xf32, #tpu.memory_space<vmem>>) target(%dma_start3A_275 : memref<16384x2048xf32, #tpu.memory_space<hbm>>) offsets(%dma_start3A_272 : memref<16xi32, #tpu.memory_space<vmem>>) semaphore(%arg19 : memref<!tpu.dma_semaphore, #tpu.memory_space<semaphore_mem>>)
        } else {
        }
        %ge3A_267 = arith.cmpi sge, %add3A_218, %select_n3A : i32
        %convert_element_type3A_268 = arith.extui %ge3A_267 : i1 to i32
        %cond3A_269 = arith.constant 0 : i32
        %cond3A_270 = arith.cmpi ne, %convert_element_type3A_268, %cond3A_269 : i32
        scf.if %cond3A_270 {
          %sub3A_271 = arith.subi %add3A_218, %select_n3A : i32
          %dma_start3A = arith.constant 0 : i32
          %dma_start3A_272 = tpu.memref_slice %arg9[%sub3A_271, %dma_start3A] : memref<32x16xi32, #tpu.memory_space<vmem>> -> memref<1x16xi32, #tpu.memory_space<vmem>>
          %dma_start3A_273 = tpu.memref_squeeze %dma_start3A_272 : memref<1x16xi32, #tpu.memory_space<vmem>> -> memref<16xi32, #tpu.memory_space<vmem>>
          %dma_start3A_274 = arith.constant 0 : i32
          %dma_start3A_275 = arith.constant 0 : i32
          %dma_start3A_276 = tpu.memref_slice %arg5[%dma_start3A_274, %dma_start3A_275] : memref<16384x2048xf32, #tpu.memory_space<hbm>> -> memref<16384x2048xf32, #tpu.memory_space<hbm>>
          tpu.enqueue_indirect_dma source(%arg13 : memref<16x2048xf32, #tpu.memory_space<vmem>>) target(%dma_start3A_276 : memref<16384x2048xf32, #tpu.memory_space<hbm>>) offsets(%dma_start3A_273 : memref<16xi32, #tpu.memory_space<vmem>>) semaphore(%arg19 : memref<!tpu.dma_semaphore, #tpu.memory_space<semaphore_mem>>)
        } else {
        }
      } else {
      }
      %ge3A_223 = arith.constant 1 : i32
      %ge3A_224 = arith.cmpi sge, %add3A_218, %ge3A_223 : i32
      %le3A_225 = arith.cmpi sle, %add3A_218, %add3A_67 : i32
      %and3A_226 = arith.andi %ge3A_224, %le3A_225 : i1
      %convert_element_type3A_227 = arith.extui %and3A_226 : i1 to i32
      %cond3A_228 = arith.constant 0 : i32
      %cond3A_229 = arith.cmpi ne, %convert_element_type3A_227, %cond3A_228 : i32
      scf.if %cond3A_229 {
        %dma_wait3A = arith.constant 0 : i32
        %dma_wait3A_257 = arith.constant 0 : i32
        %dma_wait3A_258 = tpu.memref_slice %arg9[%dma_wait3A, %dma_wait3A_257] : memref<32x16xi32, #tpu.memory_space<vmem>> -> memref<1x16xi32, #tpu.memory_space<vmem>>
        %dma_wait3A_259 = tpu.memref_squeeze %dma_wait3A_258 : memref<1x16xi32, #tpu.memory_space<vmem>> -> memref<16xi32, #tpu.memory_space<vmem>>
        %dma_wait3A_260 = arith.constant 0 : i32
        %dma_wait3A_261 = arith.constant 0 : i32
        %dma_wait3A_262 = tpu.memref_slice %arg5[%dma_wait3A_260, %dma_wait3A_261] : memref<16384x2048xf32, #tpu.memory_space<hbm>> -> memref<16384x2048xf32, #tpu.memory_space<hbm>>
        tpu.wait_indirect_dma semaphore(%arg18 : memref<!tpu.dma_semaphore, #tpu.memory_space<semaphore_mem>>) src(%arg12 : memref<16x2048xf32, #tpu.memory_space<vmem>>) dst(%dma_wait3A_262 : memref<16384x2048xf32, #tpu.memory_space<hbm>>)
      } else {
      }
      %add3A_230 = arith.constant 2 : i32
      %add3A_231 = arith.addi %add3A_218, %add3A_230 : i32
      %lt3A_232 = arith.cmpi slt, %add3A_231, %add3A_67 : i32
      %convert_element_type3A_233 = arith.extui %lt3A_232 : i1 to i32
      %cond3A_234 = arith.constant 0 : i32
      %cond3A_235 = arith.cmpi ne, %convert_element_type3A_233, %cond3A_234 : i32
      scf.if %cond3A_235 {
        %add3A_257 = arith.constant 2 : i32
        %add3A_258 = arith.addi %add3A_218, %add3A_257 : i32
        %lt3A_259 = arith.cmpi slt, %add3A_258, %select_n3A : i32
        %convert_element_type3A_260 = arith.extui %lt3A_259 : i1 to i32
        %cond3A_261 = arith.constant 0 : i32
        %cond3A_262 = arith.cmpi ne, %convert_element_type3A_260, %cond3A_261 : i32
        scf.if %cond3A_262 {
          %dma_start3A = arith.constant 0 : i32
          %dma_start3A_269 = tpu.memref_slice %arg10[%add3A_258, %dma_start3A] : memref<32x16xi32, #tpu.memory_space<vmem>> -> memref<1x16xi32, #tpu.memory_space<vmem>>
          %dma_start3A_270 = tpu.memref_squeeze %dma_start3A_269 : memref<1x16xi32, #tpu.memory_space<vmem>> -> memref<16xi32, #tpu.memory_space<vmem>>
          %dma_start3A_271 = arith.constant 0 : i32
          %dma_start3A_272 = arith.constant 0 : i32
          %dma_start3A_273 = tpu.memref_slice %arg2[%dma_start3A_271, %dma_start3A_272] : memref<16384x2048xf32, #tpu.memory_space<hbm>> -> memref<16384x2048xf32, #tpu.memory_space<hbm>>
          tpu.enqueue_indirect_dma source(%dma_start3A_273 : memref<16384x2048xf32, #tpu.memory_space<hbm>>) target(%arg12 : memref<16x2048xf32, #tpu.memory_space<vmem>>) offsets(%dma_start3A_270 : memref<16xi32, #tpu.memory_space<vmem>>) semaphore(%arg15 : memref<!tpu.dma_semaphore, #tpu.memory_space<semaphore_mem>>)
        } else {
        }
        %ge3A_263 = arith.cmpi sge, %add3A_258, %select_n3A : i32
        %lt3A_264 = arith.cmpi slt, %add3A_258, %add3A_67 : i32
        %and3A_265 = arith.andi %ge3A_263, %lt3A_264 : i1
        %convert_element_type3A_266 = arith.extui %and3A_265 : i1 to i32
        %cond3A_267 = arith.constant 0 : i32
        %cond3A_268 = arith.cmpi ne, %convert_element_type3A_266, %cond3A_267 : i32
        scf.if %cond3A_268 {
          %sub3A_269 = arith.subi %add3A_258, %select_n3A : i32
          %dma_start3A = arith.constant 0 : i32
          %dma_start3A_270 = tpu.memref_slice %arg11[%sub3A_269, %dma_start3A] : memref<32x16xi32, #tpu.memory_space<vmem>> -> memref<1x16xi32, #tpu.memory_space<vmem>>
          %dma_start3A_271 = tpu.memref_squeeze %dma_start3A_270 : memref<1x16xi32, #tpu.memory_space<vmem>> -> memref<16xi32, #tpu.memory_space<vmem>>
          %dma_start3A_272 = arith.constant 0 : i32
          %dma_start3A_273 = arith.constant 0 : i32
          %dma_start3A_274 = tpu.memref_slice %arg4[%dma_start3A_272, %dma_start3A_273] : memref<16384x2048xf32, #tpu.memory_space<hbm>> -> memref<16384x2048xf32, #tpu.memory_space<hbm>>
          tpu.enqueue_indirect_dma source(%dma_start3A_274 : memref<16384x2048xf32, #tpu.memory_space<hbm>>) target(%arg12 : memref<16x2048xf32, #tpu.memory_space<vmem>>) offsets(%dma_start3A_271 : memref<16xi32, #tpu.memory_space<vmem>>) semaphore(%arg15 : memref<!tpu.dma_semaphore, #tpu.memory_space<semaphore_mem>>)
        } else {
        }
      } else {
      }
      %mul3A_236 = arith.constant 3 : i32
      %mul3A_237 = arith.muli %mul3A_236, %while3A_195 : i32
      %add3A_238 = arith.constant 2 : i32
      %add3A_239 = arith.addi %mul3A_237, %add3A_238 : i32
      %lt3A_240 = arith.cmpi slt, %add3A_239, %add3A_67 : i32
      %convert_element_type3A_241 = arith.extui %lt3A_240 : i1 to i32
      %cond3A_242 = arith.constant 0 : i32
      %cond3A_243 = arith.cmpi ne, %convert_element_type3A_241, %cond3A_242 : i32
      scf.if %cond3A_243 {
        %dma_wait3A = arith.constant 0 : i32
        %dma_wait3A_257 = arith.constant 0 : i32
        %dma_wait3A_258 = tpu.memref_slice %arg11[%dma_wait3A, %dma_wait3A_257] : memref<32x16xi32, #tpu.memory_space<vmem>> -> memref<1x16xi32, #tpu.memory_space<vmem>>
        %dma_wait3A_259 = tpu.memref_squeeze %dma_wait3A_258 : memref<1x16xi32, #tpu.memory_space<vmem>> -> memref<16xi32, #tpu.memory_space<vmem>>
        %dma_wait3A_260 = arith.constant 0 : i32
        %dma_wait3A_261 = arith.constant 0 : i32
        %dma_wait3A_262 = tpu.memref_slice %arg4[%dma_wait3A_260, %dma_wait3A_261] : memref<16384x2048xf32, #tpu.memory_space<hbm>> -> memref<16384x2048xf32, #tpu.memory_space<hbm>>
        tpu.wait_indirect_dma semaphore(%arg17 : memref<!tpu.dma_semaphore, #tpu.memory_space<semaphore_mem>>) src(%dma_wait3A_262 : memref<16384x2048xf32, #tpu.memory_space<hbm>>) dst(%arg14 : memref<16x2048xf32, #tpu.memory_space<vmem>>)
        %lt3A_263 = arith.cmpi slt, %add3A_239, %select_n3A : i32
        %convert_element_type3A_264 = arith.extui %lt3A_263 : i1 to i32
        %cond3A_265 = arith.constant 0 : i32
        %cond3A_266 = arith.cmpi ne, %convert_element_type3A_264, %cond3A_265 : i32
        scf.if %cond3A_266 {
          %dma_start3A = arith.constant 0 : i32
          %dma_start3A_271 = tpu.memref_slice %arg10[%add3A_239, %dma_start3A] : memref<32x16xi32, #tpu.memory_space<vmem>> -> memref<1x16xi32, #tpu.memory_space<vmem>>
          %dma_start3A_272 = tpu.memref_squeeze %dma_start3A_271 : memref<1x16xi32, #tpu.memory_space<vmem>> -> memref<16xi32, #tpu.memory_space<vmem>>
          %dma_start3A_273 = arith.constant 0 : i32
          %dma_start3A_274 = arith.constant 0 : i32
          %dma_start3A_275 = tpu.memref_slice %arg5[%dma_start3A_273, %dma_start3A_274] : memref<16384x2048xf32, #tpu.memory_space<hbm>> -> memref<16384x2048xf32, #tpu.memory_space<hbm>>
          tpu.enqueue_indirect_dma source(%arg14 : memref<16x2048xf32, #tpu.memory_space<vmem>>) target(%dma_start3A_275 : memref<16384x2048xf32, #tpu.memory_space<hbm>>) offsets(%dma_start3A_272 : memref<16xi32, #tpu.memory_space<vmem>>) semaphore(%arg20 : memref<!tpu.dma_semaphore, #tpu.memory_space<semaphore_mem>>)
        } else {
        }
        %ge3A_267 = arith.cmpi sge, %add3A_239, %select_n3A : i32
        %convert_element_type3A_268 = arith.extui %ge3A_267 : i1 to i32
        %cond3A_269 = arith.constant 0 : i32
        %cond3A_270 = arith.cmpi ne, %convert_element_type3A_268, %cond3A_269 : i32
        scf.if %cond3A_270 {
          %sub3A_271 = arith.subi %add3A_239, %select_n3A : i32
          %dma_start3A = arith.constant 0 : i32
          %dma_start3A_272 = tpu.memref_slice %arg9[%sub3A_271, %dma_start3A] : memref<32x16xi32, #tpu.memory_space<vmem>> -> memref<1x16xi32, #tpu.memory_space<vmem>>
          %dma_start3A_273 = tpu.memref_squeeze %dma_start3A_272 : memref<1x16xi32, #tpu.memory_space<vmem>> -> memref<16xi32, #tpu.memory_space<vmem>>
          %dma_start3A_274 = arith.constant 0 : i32
          %dma_start3A_275 = arith.constant 0 : i32
          %dma_start3A_276 = tpu.memref_slice %arg5[%dma_start3A_274, %dma_start3A_275] : memref<16384x2048xf32, #tpu.memory_space<hbm>> -> memref<16384x2048xf32, #tpu.memory_space<hbm>>
          tpu.enqueue_indirect_dma source(%arg14 : memref<16x2048xf32, #tpu.memory_space<vmem>>) target(%dma_start3A_276 : memref<16384x2048xf32, #tpu.memory_space<hbm>>) offsets(%dma_start3A_273 : memref<16xi32, #tpu.memory_space<vmem>>) semaphore(%arg20 : memref<!tpu.dma_semaphore, #tpu.memory_space<semaphore_mem>>)
        } else {
        }
      } else {
      }
      %ge3A_244 = arith.constant 1 : i32
      %ge3A_245 = arith.cmpi sge, %add3A_239, %ge3A_244 : i32
      %le3A_246 = arith.cmpi sle, %add3A_239, %add3A_67 : i32
      %and3A_247 = arith.andi %ge3A_245, %le3A_246 : i1
      %convert_element_type3A_248 = arith.extui %and3A_247 : i1 to i32
      %cond3A_249 = arith.constant 0 : i32
      %cond3A_250 = arith.cmpi ne, %convert_element_type3A_248, %cond3A_249 : i32
      scf.if %cond3A_250 {
        %dma_wait3A = arith.constant 0 : i32
        %dma_wait3A_257 = arith.constant 0 : i32
        %dma_wait3A_258 = tpu.memref_slice %arg9[%dma_wait3A, %dma_wait3A_257] : memref<32x16xi32, #tpu.memory_space<vmem>> -> memref<1x16xi32, #tpu.memory_space<vmem>>
        %dma_wait3A_259 = tpu.memref_squeeze %dma_wait3A_258 : memref<1x16xi32, #tpu.memory_space<vmem>> -> memref<16xi32, #tpu.memory_space<vmem>>
        %dma_wait3A_260 = arith.constant 0 : i32
        %dma_wait3A_261 = arith.constant 0 : i32
        %dma_wait3A_262 = tpu.memref_slice %arg5[%dma_wait3A_260, %dma_wait3A_261] : memref<16384x2048xf32, #tpu.memory_space<hbm>> -> memref<16384x2048xf32, #tpu.memory_space<hbm>>
        tpu.wait_indirect_dma semaphore(%arg19 : memref<!tpu.dma_semaphore, #tpu.memory_space<semaphore_mem>>) src(%arg13 : memref<16x2048xf32, #tpu.memory_space<vmem>>) dst(%dma_wait3A_262 : memref<16384x2048xf32, #tpu.memory_space<hbm>>)
      } else {
      }
      %add3A_251 = arith.constant 2 : i32
      %add3A_252 = arith.addi %add3A_239, %add3A_251 : i32
      %lt3A_253 = arith.cmpi slt, %add3A_252, %add3A_67 : i32
      %convert_element_type3A_254 = arith.extui %lt3A_253 : i1 to i32
      %cond3A_255 = arith.constant 0 : i32
      %cond3A_256 = arith.cmpi ne, %convert_element_type3A_254, %cond3A_255 : i32
      scf.if %cond3A_256 {
        %add3A_257 = arith.constant 2 : i32
        %add3A_258 = arith.addi %add3A_239, %add3A_257 : i32
        %lt3A_259 = arith.cmpi slt, %add3A_258, %select_n3A : i32
        %convert_element_type3A_260 = arith.extui %lt3A_259 : i1 to i32
        %cond3A_261 = arith.constant 0 : i32
        %cond3A_262 = arith.cmpi ne, %convert_element_type3A_260, %cond3A_261 : i32
        scf.if %cond3A_262 {
          %dma_start3A = arith.constant 0 : i32
          %dma_start3A_269 = tpu.memref_slice %arg10[%add3A_258, %dma_start3A] : memref<32x16xi32, #tpu.memory_space<vmem>> -> memref<1x16xi32, #tpu.memory_space<vmem>>
          %dma_start3A_270 = tpu.memref_squeeze %dma_start3A_269 : memref<1x16xi32, #tpu.memory_space<vmem>> -> memref<16xi32, #tpu.memory_space<vmem>>
          %dma_start3A_271 = arith.constant 0 : i32
          %dma_start3A_272 = arith.constant 0 : i32
          %dma_start3A_273 = tpu.memref_slice %arg2[%dma_start3A_271, %dma_start3A_272] : memref<16384x2048xf32, #tpu.memory_space<hbm>> -> memref<16384x2048xf32, #tpu.memory_space<hbm>>
          tpu.enqueue_indirect_dma source(%dma_start3A_273 : memref<16384x2048xf32, #tpu.memory_space<hbm>>) target(%arg13 : memref<16x2048xf32, #tpu.memory_space<vmem>>) offsets(%dma_start3A_270 : memref<16xi32, #tpu.memory_space<vmem>>) semaphore(%arg16 : memref<!tpu.dma_semaphore, #tpu.memory_space<semaphore_mem>>)
        } else {
        }
        %ge3A_263 = arith.cmpi sge, %add3A_258, %select_n3A : i32
        %lt3A_264 = arith.cmpi slt, %add3A_258, %add3A_67 : i32
        %and3A_265 = arith.andi %ge3A_263, %lt3A_264 : i1
        %convert_element_type3A_266 = arith.extui %and3A_265 : i1 to i32
        %cond3A_267 = arith.constant 0 : i32
        %cond3A_268 = arith.cmpi ne, %convert_element_type3A_266, %cond3A_267 : i32
        scf.if %cond3A_268 {
          %sub3A_269 = arith.subi %add3A_258, %select_n3A : i32
          %dma_start3A = arith.constant 0 : i32
          %dma_start3A_270 = tpu.memref_slice %arg11[%sub3A_269, %dma_start3A] : memref<32x16xi32, #tpu.memory_space<vmem>> -> memref<1x16xi32, #tpu.memory_space<vmem>>
          %dma_start3A_271 = tpu.memref_squeeze %dma_start3A_270 : memref<1x16xi32, #tpu.memory_space<vmem>> -> memref<16xi32, #tpu.memory_space<vmem>>
          %dma_start3A_272 = arith.constant 0 : i32
          %dma_start3A_273 = arith.constant 0 : i32
          %dma_start3A_274 = tpu.memref_slice %arg4[%dma_start3A_272, %dma_start3A_273] : memref<16384x2048xf32, #tpu.memory_space<hbm>> -> memref<16384x2048xf32, #tpu.memory_space<hbm>>
          tpu.enqueue_indirect_dma source(%dma_start3A_274 : memref<16384x2048xf32, #tpu.memory_space<hbm>>) target(%arg13 : memref<16x2048xf32, #tpu.memory_space<vmem>>) offsets(%dma_start3A_271 : memref<16xi32, #tpu.memory_space<vmem>>) semaphore(%arg16 : memref<!tpu.dma_semaphore, #tpu.memory_space<semaphore_mem>>)
        } else {
        }
      } else {
      }
    }
    return
  }
}

</mosaic_0001>

<sc_bundles>
// kernel: _scatter_block.3.cloned.1.call-start
scs
__scs_entry_jumppad:
0x0: {  	(pc) =	sbr.rel $0x88, $3  }
0x1: {  	(tag) =	ssettag $0x0;
	lr =	simm.s32 $0x1  }
0x2: {  	[smem:$0x3F9E] =	sst lr;
	_ =	strace $0xD0000000  }
0x3: {  	_ = 	snop  }
0x4: {  	_ = 	snop  }
0x5: {  	_ = 	snop  }
0x6: {  	_ = 	snop  }
0x7: {  	_ = 	snop  }
__scs_overlays_trampoline_lowered:
0x8: {  	[smem:$0x3FAD] =	sst s0  }
0x9: {  	[smem:$0x3FAE] =	sst s1  }
0xa: {  	[smem:$0x3FAF] =	sst s2  }
0xb: {  	[smem:$0x3FB0] =	sst s3  }
0xc: {  	[smem:$0x3FB1] =	sst s4  }
0xd: {  	[smem:$0x3FB2] =	sst s5  }
0xe: {  	[smem:$0x3FB3] =	sst s6  }
0xf: {  	[smem:$0x3FB4] =	sst s7  }
0x10: {  	[smem:$0x3FB5] =	sst s8  }
0x11: {  	[smem:$0x3FB6] =	sst s9;
	s0 =	simm.s32 @!p0 $0x0  }
0x12: {  	s1 =	sld [smem:$0x3F9C];
	s0 =	simm.s32 @p0 $0x1  }
0x13: {  	[smem:$0x3FB7] =	sst s0;
	s0 =	simm.s32 @!p1 $0x0  }
0x14: {  	s2 =	sld [smem:$0x3F9B];
	s0 =	simm.s32 @p1 $0x1  }
0x15: {  	[smem:$0x3FB8] =	sst s0;
	s0 =	simm.s32 @!p2 $0x0  }
0x16: {  	s3 =	sld [smem:$0x3FDB];
	s0 =	simm.s32 @p2 $0x1  }
0x17: {  	s4 =	simm.s32 $0x1BF5;
	[smem:$0x3FBA] =	sst s0  }
0x18: {  	s0 =	sld [smem:$0x3F9D];
	_ =	swait.ge [sflag:s4], $0x0  }
0x19: {  	s7 =	sld [smem:$0x3F9E]  }
0x1a: {  	s8 =	sadd.s32 $0xFFFFE003, lr  }
0x1b: {  	s9 =	sadd.s32 $0xFFFFFEF7, lr;
	s5 =	simm.s32 $0xFFFFFFFF;
	p2 =	slt.u32 s8, $0xFFFFF086  }
0x1c: {  	p1 =	slt.u32 s9, $0xF7A;
	s5 =	simm.s32 @!p2 $0x0  }
0x1d: {  	s5 =	simm.s32 @p1 $0x1;
	p0 =	seq.s32 s7, s2  }
0x1e: {  	s7 =	smul.u32 @!p0 $0xF7A, s2;
	p2 =	seq.s32 @!p0 s5, $0x0  }
0x1f: {  	s9 =	smul.u32 $0xF7A, s1;
	s8 =	simm.s32 @!p0 $0x1BF5;
	p2 =	por !p2, p0  }
0x20: {  	[sflag:s8] =	ssyncset.s32 @!p0 $0xFFFFF086;
	s6 =	sadd.s32 @!p0 s3, s7;
	s7 =	simm.s32 @!p0 $0x108  }
0x21: {  	s3 =	sadd.s32 s3, s9;
	s6 =	sadd.s32 @!p0 $0x88, s6;
	s7 =	simm.s32 @p2 $0x1082  }
0x22: {  	[simem:s7], [sflag:s8] =	dma.local @!p0 [hbm:s6], $0xF7A  }
0x23: {  	s9 =	sor.u32 $0xD0000000, s2;
	s6 =	simm.s32 $0x108;
	_ =	swait.ge @!p0 [sflag:s8], $0x0  }
0x24: {  	s3 =	sadd.s32 $0x88, s3;
	s6 =	simm.s32 @!p1 $0x1082;
	[sflag:s4] =	ssyncset.s32 $0xFFFFF086  }
0x25: {  	[simem:s6], [sflag:s4] =	dma.local [hbm:s3], $0xF7A  }
0x26: {  	[smem:$0x3F9E] =	sst s1;
	(tag) =	ssettag s2;
	_ =	strace s9  }
0x27: {  	s1 =	sld [smem:$0x3FAE]  }
0x28: {  	s2 =	sld [smem:$0x3FAF]  }
0x29: {  	s4 =	sld [smem:$0x3FB1]  }
0x2a: {  	p0 =	seq.s32 s5, $0x0;
	s5 =	sld [smem:$0x3FB2]  }
0x2b: {  	s6 =	sld [smem:$0x3FB3]  }
0x2c: {  	s7 =	sld [smem:$0x3FB4]  }
0x2d: {  	s3 =	simm.s32 $0x108;
	s8 =	sld [smem:$0x3FB5]  }
0x2e: {  	s3 =	simm.s32 @!p0 $0x1082;
	s9 =	sld [smem:$0x3FB6]  }
0x2f: {  	lr =	sadd.s32 s0, s3;
	s0 =	sld [smem:$0x3FAD]  }
0x30: {  	s3 =	sld [smem:$0x3FB0]  }
0x31: {  	[smem:$0x3FB9] =	sst s10  }
0x32: {  	s10 =	sld [smem:$0x3FB7];
	_ =	sdelay $0x3  }
0x33: {  	p0 =	seq.s32 s10, $0x1;
	s10 =	sld [smem:$0x3FB9];
	_ =	sdelay $0x3  }
0x34: {  	[smem:$0x3FB9] =	sst s10  }
0x35: {  	s10 =	sld [smem:$0x3FB8];
	_ =	sdelay $0x3  }
0x36: {  	p1 =	seq.s32 s10, $0x1;
	s10 =	sld [smem:$0x3FB9];
	_ =	sdelay $0x3  }
0x37: {  	[smem:$0x3FB9] =	sst s10  }
0x38: {  	s10 =	sld [smem:$0x3FBA]  }
0x39: {  	_ = 	snop;
	(pc) =	sbr.ind lr, $3  }
0x3a: {  	_ = 	snop  }
0x3b: {  	_ = 	snop  }
0x3c: {  	p2 =	seq.s32 s10, $0x1;
	s10 =	sld [smem:$0x3FB9]  }
0x3d: {  	_ =	shalt  }
0x3e: {  	_ =	shalt  }
0x3f: {  	_ =	shalt  }
0x40: {  	_ =	shalt  }
0x41: {  	_ =	shalt  }
0x42: {  	_ =	shalt  }
0x43: {  	_ =	shalt  }
0x44: {  	_ =	shalt  }
0x45: {  	_ =	shalt  }
0x46: {  	_ =	shalt  }
0x47: {  	_ =	shalt  }
0x48: {  	_ =	shalt  }
0x49: {  	_ =	shalt  }
0x4a: {  	_ =	shalt  }
0x4b: {  	_ =	shalt  }
0x4c: {  	_ =	shalt  }
0x4d: {  	_ =	shalt  }
0x4e: {  	_ =	shalt  }
0x4f: {  	_ =	shalt  }
0x50: {  	_ =	shalt  }
0x51: {  	_ =	shalt  }
0x52: {  	_ =	shalt  }
0x53: {  	_ =	shalt  }
0x54: {  	_ =	shalt  }
0x55: {  	_ =	shalt  }
0x56: {  	_ =	shalt  }
0x57: {  	_ =	shalt  }
0x58: {  	_ =	shalt  }
0x59: {  	_ =	shalt  }
0x5a: {  	_ =	shalt  }
0x5b: {  	_ =	shalt  }
0x5c: {  	_ =	shalt  }
0x5d: {  	_ =	shalt  }
0x5e: {  	_ =	shalt  }
0x5f: {  	_ =	shalt  }
0x60: {  	_ =	shalt  }
0x61: {  	_ =	shalt  }
0x62: {  	_ =	shalt  }
0x63: {  	_ =	shalt  }
0x64: {  	_ =	shalt  }
0x65: {  	_ =	shalt  }
0x66: {  	_ =	shalt  }
0x67: {  	_ =	shalt  }
0x68: {  	_ =	shalt  }
0x69: {  	_ =	shalt  }
0x6a: {  	_ =	shalt  }
0x6b: {  	_ =	shalt  }
0x6c: {  	_ =	shalt  }
0x6d: {  	_ =	shalt  }
0x6e: {  	_ =	shalt  }
0x6f: {  	_ =	shalt  }
0x70: {  	_ =	shalt  }
0x71: {  	_ =	shalt  }
0x72: {  	_ =	shalt  }
0x73: {  	_ =	shalt  }
0x74: {  	_ =	shalt  }
0x75: {  	_ =	shalt  }
0x76: {  	_ =	shalt  }
0x77: {  	_ =	shalt  }
0x78: {  	_ =	shalt  }
0x79: {  	_ =	shalt  }
0x7a: {  	_ =	shalt  }
0x7b: {  	_ =	shalt  }
0x7c: {  	_ =	shalt  }
0x7d: {  	_ =	shalt  }
0x7e: {  	_ =	shalt  }
0x7f: {  	_ =	shalt  }
0x80: {  	_ =	shalt  }
0x81: {  	_ =	shalt  }
0x82: {  	_ =	shalt  }
0x83: {  	_ =	shalt  }
0x84: {  	_ =	shalt  }
0x85: {  	_ =	shalt  }
0x86: {  	_ =	shalt  }
0x87: {  	_ =	shalt  }
.Lfunc_end0:
.L_simem_size_0:
called_computation_lowered:
.L_overlay_start_0:
0x88: {  	s2 =	sld [smem:$0x3FD9]  }
0x89: {  	s3 =	sld [smem:$0x3FFE];
	_ =	sdelay $0x1  }
0x8a: {  	s1 =	srdreg.scid  }
0x8b: {  	s0 =	sand.u32 $0x1, s1  }
0x8c: {  	s18 =	sshll.u32 s0, $0xA;
	s2 =	sadd.s32 s3, s2  }
0x8d: {  	s2 =	sadd.s32 s2, s18  }
0x8e: {  	[smem:$0x3FC5] =	sst s2  }
0x8f: {  	_ = 	snop  }
0x90: {  	s2 =	sld [smem:$0x3FC9]  }
0x91: {  	s19 =	sld [smem:$0x3FC8]  }
0x92: {  	s4 =	sld [smem:$0x3FC7]  }
0x93: {  	s5 =	sld [smem:$0x3FD0];
	(tm) =	ssettm $0x1  }
0x94: {  	s6 =	sld [smem:$0x3FFB];
	_ =	sdelay $0x3  }
0x95: {  	_ =	strace s6  }
0x96: {  	s6 =	sld [smem:$0x3FFC];
	_ =	sdelay $0x3  }
0x97: {  	_ =	strace s6  }
0x98: {  	s6 =	sld [smem:$0x3FFD];
	_ =	sdelay $0x3  }
0x99: {  	_ =	strace s6  }
0x9a: {  	_ =	strace $0x8FFFFFFF  }
0x9b: {  	s20 =	sld [smem:$0x3FDB];
	_ =	sdelay $0x1  }
0x9c: {  	s7 =	simm.s32 $_scs_section_size  }
0x9d: {  	s8 =	simm.s32 $_size__tile_overlayer_lowered;
	s9 =	simm.s32 $_tile_overlayer_lowered  }
0x9e: {  	s23 =	simm.s32 $0x1BFF;
	s22 =	sshll.u32 s9, $0x1;
	s6 =	sadd.s32 s7, s20  }
0x9f: {  	s10 =	simm.s32 $0x0;
	s21 =	sshll.u32 s8, $0x1;
	s8 =	sadd.s32 s22, s6  }
0xa0: {  	[timem:s10], [sflag:s23] =	dma.local [hbm:s8], s21  }
0xa1: {  	_ =	swait.ge [sflag:s23], s21  }
0xa2: {  	s7 =	ssub.s32 $0x0, s21;
	[sflag:s23] =	ssyncset.done $0x0  }
0xa3: {  	[sflag:s23] =	ssyncadd.s32 s7;
	_ =	sdelay $0x1  }
0xa4: {  	s24 =	simm.s32 $0x1B8B  }
0xa5: {  	_ =	swait.ge [sflag:s24], $0x1  }
0xa6: {  	[sflag:s24] =	ssyncset.done $0x0  }
0xa7: {  	s25 =	simm.s32 $0x1B8E;
	[sflag:s24] =	ssyncadd.s32 $0xFFFFFFFF  }
0xa8: {  	s26 =	simm.s32 $execute0_lowered;
	[smem:$0x3FD2] =	sst s25  }
0xa9: {  	s7 =	sshll.u32 s26, $0x1;
	_ =	strace $0x80000046;
	[dreg:$0x1] =	wrdreg $0xFFFFFFFF  }
0xaa: {  	s28 =	simm.s32 $_size_execute0_lowered;
	s6 =	sadd.s32 s6, s7;
	[dreg:$0x0] =	wrdreg $0x0  }
0xab: {  	s7 =	sshll.u32 s28, $0x1;
	[dreg:$0x2] =	wrdreg s6  }
0xac: {  	[dreg:$0x3] =	wrdreg s7  }
0xad: {  	[dreg:$0x4] =	wrdreg $0xC0  }
0xae: {  	_ =	task [dreg:s10], $0x5FFFF  }
0xaf: {  	[dreg:$0x1] =	wrdreg $0xFFFFFFFF  }
0xb0: {  	[dreg:$0x0] =	wrdreg $0x60  }
0xb1: {  	[dreg:$0x2] =	wrdreg s2  }
0xb2: {  	[dreg:$0x3] =	wrdreg s19  }
0xb3: {  	[dreg:$0x4] =	wrdreg s4  }
0xb4: {  	[dreg:$0x5] =	wrdreg s5  }
0xb5: {  	[dreg:$0x6] =	wrdreg $0x9  }
0xb6: {  	_ =	task.clear_ibuf [dreg:s10], $0x7FFFF;
	_ =	strace $0x90000046  }
0xb7: {  	s29 =	simm.s32 $0x9;
	_ =	strace $0x80000048  }
0xb8: {  	_ =	swait.ge [sflag:s29], $0x1  }
0xb9: {  	[sflag:s29] =	ssyncadd.s32 $0xFFFFFFFF  }
0xba: {  	_ =	strace $0x90000048  }
0xbb: {  	_ =	sfence  }
0xbc: {  	s30 =	sld [smem:$0x0];
	_ =	sdelay $0x2  }
0xbd: {  	s31 =	sshll.u32 s1, $0xD;
	s1 =	sshrl.u32 s1, $0x2  }
0xbe: {  	s3 =	sand.u32 $0x4000, s31;
	s1 =	sadd.s32 s1, s30  }
0xbf: {  	s0 =	sor.u32 s3, s0;
	s1 =	sshll.u32 s1, $0x11  }
0xc0: {  	s0 =	sor.u32 s1, s0  }
0xc1: {  	s0 =	sadd.s32 $0x8F2B, s0  }
0xc2: {  	[sflag:s0] =	ssyncadd.remote.s32 $0x1  }
0xc3: {  	_ =	sfence.sel $0xFFFF  }
0xc4: {  	[dreg:$0x0] =	wrdreg $0xFFFFFFFF;
	(pc) =	sbr.abs _section_cstart, $3  }
0xc5: {  	[dreg:$0x1] =	wrdreg $0xFFFFFFFF  }
0xc6: {  	_ =	task.clear_ibuf [dreg:s10], $0x2FFFF;
	_ =	strace $0x9FFFFFFF  }
0xc7: {  	(tm) =	ssettm $0x7FFFFFFF  }
tec
execute0_lowered:
.L_overlay_start_1:
0x0: {  	(tag) =	ssettag $0x1  }
0x1: {  	s3 =	rddreg [dreg:$0x0]  }
0x2: {  	s4 =	rddreg [dreg:$0x2]  }
0x3: {  	s5 =	rddreg [dreg:$0x3];
	s7 =	sadd.s32 $0x100, s3  }
0x4: {  	_ =	strace $0x80000047;
	s12 =	sadd.s32 $0x200, s3;
	[dreg:$0x5] =	wrdreg s7  }
0x5: {  	s13 =	sadd.s32 $0x300, s3;
	[dreg:$0x6] =	wrdreg s12  }
0x6: {  	s0 =	srdreg.scid;
	s14 =	sadd.s32 $0x400, s3;
	[dreg:$0x7] =	wrdreg s13  }
0x7: {  	s6 =	stileid.u32;
	s15 =	sadd.s32 $0x500, s3;
	[dreg:$0x8] =	wrdreg s14  }
0x8: {  	s31 =	simm.s32 $0x0;
	s16 =	sadd.s32 $0x600, s3;
	[dreg:$0x9] =	wrdreg s15  }
0x9: {  	s0 =	sand.u32 $0x1, s0;
	s3 =	sadd.s32 $0x700, s3;
	[dreg:$0xa] =	wrdreg s16  }
0xa: {  	s11 =	sshll.u32 s6, $0x1;
	s17 =	sadd.s32 $0x100, s4;
	[dreg:$0xb] =	wrdreg s3  }
0xb: {  	s18 =	sadd.s32 $0x200, s4;
	s19 =	sadd.s32 $0x300, s4;
	[dreg:$0xc] =	wrdreg s17  }
0xc: {  	s20 =	sadd.s32 $0x400, s4;
	s21 =	sadd.s32 $0x500, s4;
	[dreg:$0xd] =	wrdreg s18  }
0xd: {  	s22 =	sadd.s32 $0x600, s4;
	s23 =	sadd.s32 $0x700, s4;
	[dreg:$0xe] =	wrdreg s19  }
0xe: {  	s24 =	sshll.u32 s6, $0xA;
	s26 =	sshll.u32 s6, $0x3;
	[dreg:$0xf] =	wrdreg s20  }
0xf: {  	s28 =	sadd.s32 $0x500, s5;
	s29 =	sadd.s32 $0x600, s5;
	[dreg:$0x10] =	wrdreg s21  }
0x10: {  	s30 =	sadd.s32 $0x700, s5;
	s4 =	simm.s32 $0x4000;
	[dreg:$0x11] =	wrdreg s22  }
0x11: {  	s1 =	ssub.s32 $0x2, s0;
	[dreg:$0x12] =	wrdreg s23;
	s20 =	sadd.s32 $0x100, s5  }
0x12: {  	s25 =	sshll.u32 s0, $0x9;
	s22 =	sadd.s32 $0x200, s5;
	s23 =	sadd.s32 $0x300, s5  }
.Ltmp0:
0x13: {  	s2 =	sshrl.u32 s1, $0x1;
	s21 =	sor.u32 s25, s24;
	(pc) =	sbr.rel .LBB2_1-.Ltmp0, $4  }
0x14: {  	s1 =	ssub.s32 s1, s2;
	s2 =	sor.u32 s0, s11;
	s0 =	sshll.u32 s0, $0x2  }
0x15: {  	v0 =	vlaneseq.u32;
	s0 =	sor.u32 s0, s26;
	p0 =	seq.s32 s2, $0x0;
	s1 =	smax.u32 s1, $0x1  }
0x16: {  	vm0 =	vmmov $0xffff;
	v2 =	vshrl.u32 v0, $0x3;
	s26 =	sadd.s32 $0x400, s5;
	[dreg:$0x13] =	wrdreg s1;
	s0 =	smax.u32 s0, $0x1  }
0x17: {  	v1 =	vand.u32 $0x7, v0;
	v3 =	vor.u32 $0x8, v0;
	v2 =	vmul.u32 $0x8, v2;
	s2 =	simm.s32 $0x4200;
	s1 =	simm.s32 $0x0;
	[dreg:$0x14] =	wrdreg s0  }
.LBB2_22:
0x18: {  	s1 =	rddreg [dreg:$0x15]  }
0x19: {  	s0 =	rddreg [dreg:$0x13];
	s1 =	sadd.s32 $0x1, s1  }
0x1a: {  	p1 =	sne.s32 s1, s0  }
.Ltmp1:
0x1b: {  	_ = 	snop;
	(pc) =	sbr.rel @!p1 .LBB2_23-.Ltmp1, $1  }
0x1c: {  	_ =	sdelay $0x3  }
.LBB2_1:
0x1d: {  	[dreg:$0x15] =	wrdreg s1  }
0x1e: {  	s0 =	rddreg [dreg:$0x1];
	s6 =	simm.s32 $0x7  }
0x1f: {  	[tilespmem:s31], [sflag:$0x7] =	stream.linear.gather [hbm4b:s0+s31], $0x4000, $0x38;
	[tilespmem:$0x1F400] =	vst v63  }
0x20: {  	s17 =	sadd.s32 $0x0, s21;
	_ =	swait.ge [sflag:s6], $0x4000  }
0x21: {  	s3 =	sand.u32 $0x70, s31;
	s18 =	sand.u32 $0x3F80, s17;
	[sflag:s6] =	ssyncset.done $0x0  }
0x22: {  	s1 =	sor.u32 s3, s18;
	[sflag:s6] =	ssyncadd.s32 $0xFFFFC000  }
0x23: {  	v4 =	vld [tilespmem:s1+$0x0];
	_ =	sdelay $0x4  }
0x24: {  	(xrf0) =	vadd.scan.msk.s32 $0xffff, v4;
	_ =	sdelay $0x5  }
0x25: {  	v6 =	vsub.s32 s31, v4;
	v5, _, _ =	vpop (xrf0)  }
0x26: {  	v7 =	vadd.s32 s31, v4;
	vm1 =	vgt.s32 v4, $0x0;
	(v2sf) =	vpush v5, $0xF  }
0x27: {  	vm2 =	vle.s32 v4, $0x0;
	v4 =	vadd.s32 v5, v6;
	v5 =	vsub.s32 v7, v5  }
0x28: {  	v5 =	vadd.s32 v0, v5;
	_ =	sdelay $0x2  }
0x29: {  	s19 =	simm.s32 $0x10;
	s1 =	sadd.s32 $0x10, s21;
	v6 =	vor.u32 s17, v0  }
0x2a: {  	s3 =	sand.u32 $0x70, s19;
	s24 =	sand.u32 $0x3F80, s1;
	[tilespmem:v4+s4+$0x0] =	vst.idx.msk vm1, v6  }
0x2b: {  	s0 =	sor.u32 s3, s24;
	[tilespmem:v5+s2+$0x0] =	vst.idx.msk vm2, v6  }
0x2c: {  	v4 =	vld [tilespmem:s0+$0x0];
	_ =	sdelay $0x4  }
0x2d: {  	(xrf0) =	vadd.scan.msk.s32 $0xffff, v4;
	_ =	sdelay $0x1  }
0x2e: {  	s25 =	spop (v2sf)  }
0x2f: {  	s3 =	simm.s32 $0x20;
	s0 =	sadd.s32 $0x0, s25;
	s6 =	ssub.s32 $0x0, s25  }
.LBB2_2:
0x30: {  	p1 =	sne.s32 s3, $0x1F0  }
0x31: {  	vm1 =	vle.s32 v4, $0x0;
	s6 =	sadd.s32 $0x10, s6;
	s7 =	smov.u32 s3;
	s3 =	sadd.s32 $0x10, s3  }
0x32: {  	v5 =	vsub.s32 s0, v4;
	vm2 =	vgt.s32 v4, $0x0;
	v6 =	vadd.s32 s6, v4;
	v4, _, _ =	vpop (xrf0)  }
0x33: {  	v5 =	vadd.s32 v4, v5;
	v6 =	vsub.s32 v6, v4;
	(v2sf) =	vpush v4, $0xF  }
0x34: {  	v4 =	vadd.s32 v0, v6;
	_ =	sdelay $0x2  }
0x35: {  	v6 =	vor.u32 s1, v0;
	s1 =	sadd.s32 s7, s21  }
0x36: {  	s7 =	sand.u32 $0x70, s7;
	s8 =	sand.u32 $0x3F80, s1;
	[tilespmem:v5+s4+$0x0] =	vst.idx.msk vm2, v6  }
0x37: {  	s7 =	sor.u32 s7, s8;
	[tilespmem:v4+s2+$0x0] =	vst.idx.msk vm1, v6  }
0x38: {  	v4 =	vld [tilespmem:s7+$0x0];
	_ =	sdelay $0x4  }
.Ltmp2:
0x39: {  	(xrf0) =	vadd.scan.msk.s32 $0xffff, v4;
	(pc) =	sbr.rel @p1 .LBB2_2-.Ltmp2, $3  }
0x3a: {  	_ =	sdelay $0x1  }
0x3b: {  	s7 =	spop (v2sf)  }
0x3c: {  	s0 =	sadd.s32 s0, s7;
	s6 =	ssub.s32 s6, s7  }
0x3d: {  	_ = 	snop  }
0x3e: {  	v5, _, _ =	vpop (xrf0)  }
0x3f: {  	(v2sf) =	vpush v5, $0xF;
	_ =	sdelay $0xe  }
0x40: {  	s6 =	sadd.s32 $0x10, s6;
	s7 =	spop (v2sf)  }
0x41: {  	s3 =	ssub.s32 s6, s7  }
0x42: {  	s3 =	sadd.s32 $0x10, s3  }
0x43: {  	s8 =	sadd.s32 $0xFFFFFFFF, s3  }
0x44: {  	vm1 =	vle.s32 v4, $0x0;
	v7 =	vsub.s32 s0, v4;
	p1 =	sgt.s32 s8, $0x0  }
0x45: {  	vm2 =	vgt.s32 v4, $0x0;
	s19 =	simm.s32 $0x0;
	v6 =	vadd.s32 s6, v4;
	v7 =	vadd.s32 v5, v7;
	s8 =	simm.s32 @!p1 $0x0  }
0x46: {  	v5 =	vsub.s32 v6, v5;
	v6 =	vor.u32 s19, v0;
	v4 =	vmov s8  }
0x47: {  	v5 =	vadd.s32 v0, v5;
	vm3 =	vlt.s32 v6, v4  }
0x48: {  	v6 =	vsel vm3, v6, v4;
	_ =	sdelay $0x1  }
0x49: {  	v8 =	vor.u32 s1, v0  }
0x4a: {  	s24 =	simm.s32 $0x10;
	[tilespmem:v7+s4+$0x0] =	vst.idx.msk vm2, v8  }
0x4b: {  	[tilespmem:v5+s2+$0x0] =	vst.idx.msk vm1, v8;
	v5 =	vor.u32 s24, v0  }
0x4c: {  	vm1 =	vlt.s32 v5, v4;
	v6 =	vld.idx.msk [tilespmem:v6+s2+$0x0], $0xffff  }
0x4d: {  	v5 =	vsel vm1, v5, v4;
	_ =	sdelay $0x2  }
0x4e: {  	s1 =	simm.s32 $0x5400  }
0x4f: {  	s25 =	simm.s32 $0x20;
	[tilespmem:s1+$0x0] =	vst v6  }
0x50: {  	s0 =	sadd.s32 s0, s7;
	s6 =	simm.s32 $0x30;
	v6 =	vor.u32 s25, v0;
	v5 =	vld.idx.msk [tilespmem:v5+s2+$0x0], $0xffff  }
.LBB2_4:
0x51: {  	p1 =	sne.s32 s6, $0x1F0;
	vm1 =	vlt.s32 v6, v4  }
0x52: {  	v7 =	vsel vm1, v6, v4  }
.Ltmp3:
0x53: {  	(pc) =	sbr.rel @p1 .LBB2_4-.Ltmp3, $4  }
0x54: {  	_ = 	snop  }
0x55: {  	s1 =	sadd.s32 $0x80, s1  }
0x56: {  	[tilespmem:s1+$0x0] =	vst v5  }
0x57: {  	v6 =	vor.u32 s6, v0;
	s6 =	sadd.s32 $0x10, s6;
	v5 =	vld.idx.msk [tilespmem:v7+s2+$0x0], $0xffff  }
0x58: {  	s3 =	sadd.s32 $0xF, s3  }
0x59: {  	vm1 =	vlt.s32 v6, v4;
	s19 =	sand.u32 $0xF, s3  }
0x5a: {  	v4 =	vsel vm1, v6, v4;
	s24 =	sshra.s32 s3, $0x1F;
	p2 =	slt.s32 s3, $0x1;
	p1 =	sne.s32 s19, $0x0  }
0x5b: {  	s6 =	sadd.s32 $0x80, s1;
	s1 =	sshrl.u32 s24, $0x1C;
	p1 =	por !p2, !p1  }
0x5c: {  	s1 =	sadd.s32 s1, s3;
	s3 =	simm.s32 $0x1;
	p1 =	por !p1, !p1  }
0x5d: {  	s15 =	sshra.s32 s1, $0x4;
	s3 =	simm.s32 @!p1 $0x0  }
0x5e: {  	[tilespmem:s6+$0x0] =	vst v5;
	s1 =	ssub.s32 s15, s3  }
0x5f: {  	v4 =	vld.idx.msk [tilespmem:v4+s2+$0x0], $0xffff;
	p2 =	slt.s32 s1, $0x1  }
.Ltmp4:
0x60: {  	_ = 	snop;
	(pc) =	sbr.rel @p2 .LBB2_7-.Ltmp4, $3  }
0x61: {  	_ =	sdelay $0x1  }
0x62: {  	s25 =	sadd.s32 $0x80, s6  }
0x63: {  	[tilespmem:s25+$0x0] =	vst v4  }
0x64: {  	v4 =	vld [tilespmem:$0x5400];
	_ =	sdelay $0x4  }
0x65: {  	v5 =	vshll.u32 v4, $0x4  }
0x66: {  	v4 =	vand.u32 $0x7, v4;
	v5 =	vand.u32 $0xFFFFFF80, v5  }
0x67: {  	v4 =	vor.u32 v4, v5  }
0x68: {  	v5 =	vperm.xlane v4, v1;
	_ =	sdelay $0x1  }
0x69: {  	v5 =	vadd.s32 v2, v5;
	_ =	sdelay $0x3  }
0x6a: {  	s7 =	rddreg [dreg:$0x0];
	s3 =	simm.s32 $0x7400  }
0x6b: {  	[tilespmem:s3], [sflag:$0x1] =	stream.indirect_vreg.gather [hbm4b:s7+s31], $0x80, v5, vm0, $0xb8;
	[tilespmem:$0x1F400] =	vst v63  }
0x6c: {  	s8 =	rddreg [dreg:$0x5];
	s13 =	simm.s32 $0x7C00  }
0x6d: {  	[tilespmem:s13], [sflag:$0x1] =	stream.indirect_vreg.gather [hbm4b:s8+s31], $0x80, v5, vm0, $0xb8;
	[tilespmem:$0x1F400] =	vst v63  }
0x6e: {  	s9 =	rddreg [dreg:$0x6];
	s14 =	simm.s32 $0x8400  }
0x6f: {  	[tilespmem:s14], [sflag:$0x1] =	stream.indirect_vreg.gather [hbm4b:s9+s31], $0x80, v5, vm0, $0xb8;
	[tilespmem:$0x1F400] =	vst v63  }
0x70: {  	s10 =	rddreg [dreg:$0x7];
	s16 =	simm.s32 $0x8C00  }
0x71: {  	[tilespmem:s16], [sflag:$0x1] =	stream.indirect_vreg.gather [hbm4b:s10+s31], $0x80, v5, vm0, $0xb8;
	[tilespmem:$0x1F400] =	vst v63  }
0x72: {  	s11 =	rddreg [dreg:$0x8];
	s17 =	simm.s32 $0x9400  }
0x73: {  	[tilespmem:s17], [sflag:$0x1] =	stream.indirect_vreg.gather [hbm4b:s11+s31], $0x80, v5, vm0, $0xb8;
	[tilespmem:$0x1F400] =	vst v63  }
0x74: {  	s18 =	simm.s32 $0x9C00;
	v4 =	vperm.xlane v4, v3;
	s13 =	rddreg [dreg:$0x9]  }
0x75: {  	[tilespmem:s18], [sflag:$0x1] =	stream.indirect_vreg.gather [hbm4b:s13+s31], $0x80, v5, vm0, $0xb8;
	[tilespmem:$0x1F400] =	vst v63  }
0x76: {  	s19 =	simm.s32 $0xA400;
	v4 =	vadd.s32 v2, v4;
	s14 =	rddreg [dreg:$0xa]  }
0x77: {  	[tilespmem:s19], [sflag:$0x1] =	stream.indirect_vreg.gather [hbm4b:s14+s31], $0x80, v5, vm0, $0xb8;
	[tilespmem:$0x1F400] =	vst v63  }
0x78: {  	s12 =	rddreg [dreg:$0xb];
	s24 =	simm.s32 $0xAC00  }
0x79: {  	[tilespmem:s24], [sflag:$0x1] =	stream.indirect_vreg.gather [hbm4b:s12+s31], $0x80, v5, vm0, $0xb8;
	[tilespmem:$0x1F400] =	vst v63  }
0x7a: {  	s25 =	simm.s32 $0xB400  }
0x7b: {  	[tilespmem:s25], [sflag:$0x1] =	stream.indirect_vreg.gather [hbm4b:s7+s31], $0x80, v4, vm0, $0xb8;
	[tilespmem:$0x1F400] =	vst v63  }
0x7c: {  	s6 =	simm.s32 $0xBC00  }
0x7d: {  	[tilespmem:s6], [sflag:$0x1] =	stream.indirect_vreg.gather [hbm4b:s8+s31], $0x80, v4, vm0, $0xb8;
	[tilespmem:$0x1F400] =	vst v63  }
0x7e: {  	s16 =	simm.s32 $0xC400  }
0x7f: {  	[tilespmem:s16], [sflag:$0x1] =	stream.indirect_vreg.gather [hbm4b:s9+s31], $0x80, v4, vm0, $0xb8;
	[tilespmem:$0x1F400] =	vst v63  }
0x80: {  	s17 =	simm.s32 $0xCC00  }
0x81: {  	[tilespmem:s17], [sflag:$0x1] =	stream.indirect_vreg.gather [hbm4b:s10+s31], $0x80, v4, vm0, $0xb8;
	[tilespmem:$0x1F400] =	vst v63  }
0x82: {  	s18 =	simm.s32 $0xD400  }
0x83: {  	[tilespmem:s18], [sflag:$0x1] =	stream.indirect_vreg.gather [hbm4b:s11+s31], $0x80, v4, vm0, $0xb8;
	[tilespmem:$0x1F400] =	vst v63  }
0x84: {  	s19 =	simm.s32 $0xDC00  }
0x85: {  	[tilespmem:s19], [sflag:$0x1] =	stream.indirect_vreg.gather [hbm4b:s13+s31], $0x80, v4, vm0, $0xb8;
	[tilespmem:$0x1F400] =	vst v63  }
0x86: {  	s24 =	simm.s32 $0xE400  }
0x87: {  	[tilespmem:s24], [sflag:$0x1] =	stream.indirect_vreg.gather [hbm4b:s14+s31], $0x80, v4, vm0, $0xb8;
	[tilespmem:$0x1F400] =	vst v63  }
0x88: {  	p2 =	seq.s32 s1, $0x1;
	s25 =	simm.s32 $0xEC00  }
0x89: {  	[tilespmem:s25], [sflag:$0x1] =	stream.indirect_vreg.gather [hbm4b:s12+s31], $0x80, v4, vm0, $0xb8;
	[tilespmem:$0x1F400] =	vst v63  }
0x8a: {  	v4 =	vld @!p2 [tilespmem:$0x5480];
	_ =	sdelay $0x4  }
0x8b: {  	v5 =	vshll.u32 @!p2 v4, $0x4  }
0x8c: {  	v6 =	vlaneseq.u32 @!p2;
	v4 =	vand.u32 @!p2 $0x7, v4;
	v5 =	vand.u32 @!p2 $0xFFFFFF80, v5  }
0x8d: {  	v7 =	vshrl.u32 @!p2 v6, $0x3;
	v4 =	vor.u32 @!p2 v4, v5;
	v5 =	vand.u32 @!p2 $0x7, v6  }
0x8e: {  	v7 =	vmul.u32 @!p2 $0x8, v7;
	v5 =	vperm.xlane @!p2 v4, v5;
	_ =	sdelay $0x1  }
0x8f: {  	v5 =	vadd.s32 @!p2 v7, v5;
	_ =	sdelay $0x3  }
0x90: {  	vm1 =	vmmov @!p2 $0xffff;
	s3 =	simm.s32 @!p2 $0x0;
	s6 =	simm.s32 @!p2 $0xF400  }
0x91: {  	[tilespmem:s6], [sflag:$0x2] =	stream.indirect_vreg.gather @!p2 [hbm4b:s7+s3], $0x80, v5, vm1, $0xb8;
	[tilespmem:$0x1F400] =	vst v63  }
0x92: {  	s6 =	simm.s32 @!p2 $0xFC00  }
0x93: {  	[tilespmem:s6], [sflag:$0x2] =	stream.indirect_vreg.gather @!p2 [hbm4b:s8+s3], $0x80, v5, vm1, $0xb8;
	[tilespmem:$0x1F400] =	vst v63  }
0x94: {  	s6 =	simm.s32 @!p2 $0x10400  }
0x95: {  	[tilespmem:s6], [sflag:$0x2] =	stream.indirect_vreg.gather @!p2 [hbm4b:s9+s3], $0x80, v5, vm1, $0xb8;
	[tilespmem:$0x1F400] =	vst v63  }
0x96: {  	s6 =	simm.s32 @!p2 $0x10C00  }
0x97: {  	[tilespmem:s6], [sflag:$0x2] =	stream.indirect_vreg.gather @!p2 [hbm4b:s10+s3], $0x80, v5, vm1, $0xb8;
	[tilespmem:$0x1F400] =	vst v63  }
0x98: {  	s6 =	simm.s32 @!p2 $0x11400  }
0x99: {  	v6 =	vor.u32 @!p2 $0x8, v6;
	[tilespmem:s6], [sflag:$0x2] =	stream.indirect_vreg.gather @!p2 [hbm4b:s11+s3], $0x80, v5, vm1, $0xb8;
	[tilespmem:$0x1F400] =	vst v63  }
0x9a: {  	v4 =	vperm.xlane @!p2 v4, v6;
	s6 =	simm.s32 @!p2 $0x11C00  }
0x9b: {  	[tilespmem:s6], [sflag:$0x2] =	stream.indirect_vreg.gather @!p2 [hbm4b:s13+s3], $0x80, v5, vm1, $0xb8;
	[tilespmem:$0x1F400] =	vst v63  }
0x9c: {  	v4 =	vadd.s32 @!p2 v7, v4;
	s6 =	simm.s32 @!p2 $0x12400  }
0x9d: {  	[tilespmem:s6], [sflag:$0x2] =	stream.indirect_vreg.gather @!p2 [hbm4b:s14+s3], $0x80, v5, vm1, $0xb8;
	[tilespmem:$0x1F400] =	vst v63  }
0x9e: {  	s6 =	simm.s32 @!p2 $0x12C00  }
0x9f: {  	[tilespmem:s6], [sflag:$0x2] =	stream.indirect_vreg.gather @!p2 [hbm4b:s12+s3], $0x80, v5, vm1, $0xb8;
	[tilespmem:$0x1F400] =	vst v63  }
0xa0: {  	s6 =	simm.s32 @!p2 $0x13400  }
0xa1: {  	[tilespmem:s6], [sflag:$0x2] =	stream.indirect_vreg.gather @!p2 [hbm4b:s7+s3], $0x80, v4, vm1, $0xb8;
	[tilespmem:$0x1F400] =	vst v63  }
0xa2: {  	s6 =	simm.s32 @!p2 $0x13C00  }
0xa3: {  	[tilespmem:s6], [sflag:$0x2] =	stream.indirect_vreg.gather @!p2 [hbm4b:s8+s3], $0x80, v4, vm1, $0xb8;
	[tilespmem:$0x1F400] =	vst v63  }
0xa4: {  	s6 =	simm.s32 @!p2 $0x14400  }
0xa5: {  	[tilespmem:s6], [sflag:$0x2] =	stream.indirect_vreg.gather @!p2 [hbm4b:s9+s3], $0x80, v4, vm1, $0xb8;
	[tilespmem:$0x1F400] =	vst v63  }
0xa6: {  	s6 =	simm.s32 @!p2 $0x14C00  }
0xa7: {  	[tilespmem:s6], [sflag:$0x2] =	stream.indirect_vreg.gather @!p2 [hbm4b:s10+s3], $0x80, v4, vm1, $0xb8;
	[tilespmem:$0x1F400] =	vst v63  }
0xa8: {  	s6 =	simm.s32 @!p2 $0x15400  }
0xa9: {  	[tilespmem:s6], [sflag:$0x2] =	stream.indirect_vreg.gather @!p2 [hbm4b:s11+s3], $0x80, v4, vm1, $0xb8;
	[tilespmem:$0x1F400] =	vst v63  }
0xaa: {  	s6 =	simm.s32 @!p2 $0x15C00  }
0xab: {  	[tilespmem:s6], [sflag:$0x2] =	stream.indirect_vreg.gather @!p2 [hbm4b:s13+s3], $0x80, v4, vm1, $0xb8;
	[tilespmem:$0x1F400] =	vst v63  }
0xac: {  	s6 =	simm.s32 @!p2 $0x16400  }
0xad: {  	[tilespmem:s6], [sflag:$0x2] =	stream.indirect_vreg.gather @!p2 [hbm4b:s14+s3], $0x80, v4, vm1, $0xb8;
	[tilespmem:$0x1F400] =	vst v63  }
0xae: {  	s6 =	simm.s32 @!p2 $0x16C00  }
0xaf: {  	[tilespmem:s6], [sflag:$0x2] =	stream.indirect_vreg.gather @!p2 [hbm4b:s12+s3], $0x80, v4, vm1, $0xb8;
	[tilespmem:$0x1F400] =	vst v63  }
.LBB2_7:
.Ltmp5:
0xb0: {  	(pc) =	sbr.rel @p0 .LBB2_11-.Ltmp5, $2  }
0xb1: {  	_ =	sdelay $0x2  }
0xb2: {  	s3 =	simm.s32 $0x40;
	v4 =	vimm.s32 $0x0  }
0xb3: {  	v9 =	vld [tilespmem:s3+$0x0];
	s6 =	rddreg [dreg:$0x14]  }
0xb4: {  	v6 =	vld [tilespmem:s3+$0x10];
	p2 =	sne.s32 s6, $0x1  }
.Ltmp6:
0xb5: {  	v5 =	vld [tilespmem:s3+$0x20];
	(pc) =	sbr.rel @!p2 .LBB2_10-.Ltmp6, $4  }
0xb6: {  	v8 =	vld [tilespmem:s3+$0xFFFFFFC0]  }
0xb7: {  	v7 =	vld [tilespmem:s3+$0xFFFFFFD0]  }
0xb8: {  	v10 =	vld [tilespmem:s3+$0xFFFFFFE0]  }
0xb9: {  	v13 =	vld [tilespmem:s3+$0xFFFFFFF0];
	v14 =	vimm.s32 $0x0;
	v12 =	vimm.s32 $0x0;
	v11 =	vimm.s32 $0x0;
	s6 =	sadd.s32 $0xFFFFFFFF, s6  }
.LBB2_9:
0xba: {  	p2 =	sne.s32 s6, $0x1;
	v15 =	vld [tilespmem:s3+$0x30];
	s3 =	sadd.s32 $0x80, s3;
	v16 =	vmov v5  }
0xbb: {  	v17 =	vld [tilespmem:s3+$0x0]  }
0xbc: {  	v4 =	vadd.s32 v4, v8;
	v18 =	vld [tilespmem:s3+$0x10]  }
.Ltmp7:
0xbd: {  	v4 =	vadd.s32 v9, v4;
	v5 =	vld [tilespmem:s3+$0x20];
	(pc) =	sbr.rel @p2 .LBB2_9-.Ltmp7, $4  }
0xbe: {  	v19 =	vadd.s32 v14, v7;
	v10 =	vadd.s32 v12, v10;
	v8 =	vld [tilespmem:s3+$0xFFFFFFC0];
	v11 =	vadd.s32 v11, v13  }
0xbf: {  	v14 =	vadd.s32 v6, v19;
	v12 =	vadd.s32 v16, v10;
	v7 =	vld [tilespmem:s3+$0xFFFFFFD0];
	v11 =	vadd.s32 v15, v11  }
0xc0: {  	v10 =	vld [tilespmem:s3+$0xFFFFFFE0];
	v9 =	vmov v17  }
0xc1: {  	s6 =	sadd.s32 $0xFFFFFFFF, s6;
	v13 =	vld [tilespmem:s3+$0xFFFFFFF0];
	v6 =	vmov v18  }
.LBB2_10:
0xc2: {  	v15 =	vld [tilespmem:s3+$0x30];
	_ =	sdelay $0x1  }
0xc3: {  	v4 =	vadd.s32 v4, v8;
	v7 =	vadd.s32 v14, v7  }
0xc4: {  	v4 =	vadd.s32 v9, v4;
	v63 =	vadd.s32 v12, v10;
	v6 =	vadd.s32 v6, v7  }
0xc5: {  	v7 =	vadd.s32 v11, v13;
	v5 =	vadd.s32 v5, v63;
	v4 =	vadd.s32 v4, v6  }
0xc6: {  	v6 =	vadd.s32 v15, v7;
	v4 =	vadd.s32 v5, v4  }
0xc7: {  	v4 =	vadd.s32 v6, v4  }
.LBB2_11:
0xc8: {  	(v2sf) =	vpush v4, $0x0  }
0xc9: {  	(v2sf) =	vpush v4, $0x1;
	_ =	sdelay $0x1  }
0xca: {  	(v2sf) =	vpush v4, $0x2  }
0xcb: {  	(v2sf) =	vpush v4, $0x3  }
0xcc: {  	(v2sf) =	vpush v4, $0x4  }
0xcd: {  	(v2sf) =	vpush v4, $0x5  }
0xce: {  	(v2sf) =	vpush v4, $0x6  }
0xcf: {  	(v2sf) =	vpush v4, $0x7  }
0xd0: {  	(v2sf) =	vpush v4, $0x8  }
0xd1: {  	(v2sf) =	vpush v4, $0x9  }
0xd2: {  	(v2sf) =	vpush v4, $0xA  }
0xd3: {  	(v2sf) =	vpush v4, $0xB  }
0xd4: {  	(v2sf) =	vpush v4, $0xC  }
0xd5: {  	(v2sf) =	vpush v4, $0xD  }
0xd6: {  	s3 =	spop (v2sf);
	(v2sf) =	vpush v4, $0xE  }
0xd7: {  	s6 =	spop (v2sf);
	(v2sf) =	vpush v4, $0xF;
	_ =	sdelay $0x1  }
0xd8: {  	s18 =	simm.s32 $0x0;
	s7 =	spop (v2sf);
	s3 =	sadd.s32 s6, s3  }
0xd9: {  	s8 =	spop (v2sf);
	s3 =	sadd.s32 s7, s3;
	s7 =	sadd.s32 $0xFFFFFFFF, s0  }
0xda: {  	s9 =	spop (v2sf);
	s3 =	sadd.s32 s8, s3;
	p2 =	sgt.s32 s7, $0x0  }
0xdb: {  	s10 =	spop (v2sf);
	s3 =	sadd.s32 s9, s3;
	s7 =	simm.s32 @!p2 $0x0  }
0xdc: {  	v5 =	vor.u32 s18, v0;
	s16 =	spop (v2sf);
	s3 =	sadd.s32 s10, s3;
	v4 =	vmov s7  }
0xdd: {  	s17 =	spop (v2sf);
	s3 =	sadd.s32 s16, s3;
	vm1 =	vlt.s32 v5, v4  }
0xde: {  	s19 =	spop (v2sf);
	s3 =	sadd.s32 s17, s3;
	v7 =	vsel vm1, v5, v4  }
0xdf: {  	s24 =	spop (v2sf);
	s3 =	sadd.s32 s19, s3  }
0xe0: {  	s12 =	sadd.s32 $0xF, s0;
	s25 =	spop (v2sf);
	s3 =	sadd.s32 s24, s3  }
0xe1: {  	s14 =	sshra.s32 s12, $0x1F;
	s10 =	spop (v2sf);
	s3 =	sadd.s32 s25, s3  }
0xe2: {  	s16 =	simm.s32 $0x10;
	s11 =	spop (v2sf);
	s3 =	sadd.s32 s10, s3  }
0xe3: {  	p6 =	slt.s32 s12, $0x1;
	v5 =	vor.u32 s16, v0;
	s13 =	spop (v2sf);
	s3 =	sadd.s32 s11, s3;
	v8 =	vld.idx.msk [tilespmem:v7+s4+$0x0], $0xffff  }
0xe4: {  	s6 =	sshrl.u32 s14, $0x1C;
	vm1 =	vlt.s32 v5, v4;
	s3 =	sadd.s32 s13, s3;
	s17 =	spop (v2sf)  }
0xe5: {  	s0 =	sand.u32 $0xF, s12;
	v6 =	vsel vm1, v5, v4;
	s18 =	sadd.s32 s17, s3;
	s19 =	spop (v2sf)  }
0xe6: {  	s6 =	sadd.s32 s6, s12;
	p3 =	sne.s32 s0, $0x0;
	s0 =	sadd.s32 s19, s18  }
0xe7: {  	p2 =	por !p6, !p3;
	s24 =	sshra.s32 s6, $0x4;
	s6 =	simm.s32 $0x4400;
	v5 =	vmov s0  }
0xe8: {  	s8 =	simm.s32 $0x1;
	p2 =	por !p2, !p2;
	s3 =	simm.s32 $0x6400;
	[tilespmem:s6+$0x0] =	vst v8;
	v7 =	vadd.s32 v5, v7  }
0xe9: {  	s8 =	simm.s32 @!p2 $0x0;
	s25 =	simm.s32 $0x20;
	[tilespmem:s3+$0x0] =	vst v7  }
0xea: {  	s7 =	ssub.s32 s24, s8;
	s0 =	simm.s32 $0xFFFFFFFF;
	v8 =	vor.u32 s25, v0;
	v7 =	vld.idx.msk [tilespmem:v6+s4+$0x0], $0xffff  }
0xeb: {  	s24 =	sadd.s32 s1, s7;
	s7 =	simm.s32 $0x30;
	s0 =	simm.s32 @!p1 $0x0;
	vm1 =	vlt.s32 v8, v4  }
.LBB2_12:
0xec: {  	p1 =	sne.s32 s7, $0x1F0;
	v8 =	vsel vm1, v8, v4;
	_ =	sdelay $0x1  }
0xed: {  	s6 =	sadd.s32 $0x80, s6  }
.Ltmp8:
0xee: {  	s3 =	sadd.s32 $0x80, s3;
	[tilespmem:s6+$0x0] =	vst v7;
	v7 =	vadd.s32 v5, v6;
	v6 =	vmov v8;
	(pc) =	sbr.rel @p1 .LBB2_12-.Ltmp8, $4  }
0xef: {  	[tilespmem:s3+$0x0] =	vst v7  }
0xf0: {  	v7 =	vld.idx.msk [tilespmem:v8+s4+$0x0], $0xffff  }
0xf1: {  	v8 =	vor.u32 s7, v0  }
0xf2: {  	s7 =	sadd.s32 $0x10, s7;
	vm1 =	vlt.s32 v8, v4  }
0xf3: {  	v4 =	vsel vm1, v8, v4;
	_ =	sdelay $0x1  }
0xf4: {  	s6 =	sadd.s32 $0x80, s6  }
0xf5: {  	v6 =	vadd.s32 v5, v6;
	s3 =	sadd.s32 $0x80, s3;
	[tilespmem:s6+$0x0] =	vst v7  }
0xf6: {  	[tilespmem:s3+$0x0] =	vst v6  }
0xf7: {  	v6 =	vld.idx.msk [tilespmem:v4+s4+$0x0], $0xffff  }
0xf8: {  	p1 =	sgt.s32 s1, $0x0  }
0xf9: {  	p2 =	slt.s32 @!p1 s24, $0x1  }
0xfa: {  	p1 =	por p2, p1  }
0xfb: {  	s6 =	sadd.s32 $0x80, s6;
	s7 =	sshll.u32 @!p1 s1, $0x9  }
0xfc: {  	s3 =	sadd.s32 $0x80, s3;
	v4 =	vadd.s32 v5, v4;
	[tilespmem:s6+$0x0] =	vst v6;
	s6 =	ssub.s32 @!p1 $0x0, s7  }
0xfd: {  	[tilespmem:s3+$0x0] =	vst v4;
	s3 =	sshra.s32 @!p1 s6, $0x2  }
0xfe: {  	v4 =	vld @!p1 [tilespmem:s3+$0x6400];
	_ =	sdelay $0x4  }
0xff: {  	v5 =	vshll.u32 @!p1 v4, $0x4  }
0x100: {  	v6 =	vlaneseq.u32 @!p1;
	v4 =	vand.u32 @!p1 $0x7, v4;
	v5 =	vand.u32 @!p1 $0xFFFFFF80, v5  }
0x101: {  	v7 =	vshrl.u32 @!p1 v6, $0x3;
	v4 =	vor.u32 @!p1 v4, v5;
	v5 =	vand.u32 @!p1 $0x7, v6  }
0x102: {  	v7 =	vmul.u32 @!p1 $0x8, v7;
	v5 =	vperm.xlane @!p1 v4, v5;
	_ =	sdelay $0x1  }
0x103: {  	v5 =	vadd.s32 @!p1 v7, v5;
	_ =	sdelay $0x3  }
0x104: {  	vm1 =	vmmov @!p1 $0xffff;
	s7 =	rddreg [dreg:$0x2];
	s6 =	simm.s32 @!p1 $0x7400;
	s3 =	simm.s32 @!p1 $0x0  }
0x105: {  	[tilespmem:s6], [sflag:$0x1] =	stream.indirect_vreg.gather @!p1 [hbm4b:s7+s3], $0x80, v5, vm1, $0xb8;
	[tilespmem:$0x1F400] =	vst v63  }
0x106: {  	s8 =	rddreg [dreg:$0xc];
	s6 =	simm.s32 @!p1 $0x7C00  }
0x107: {  	[tilespmem:s6], [sflag:$0x1] =	stream.indirect_vreg.gather @!p1 [hbm4b:s8+s3], $0x80, v5, vm1, $0xb8;
	[tilespmem:$0x1F400] =	vst v63  }
0x108: {  	s9 =	rddreg [dreg:$0xd];
	s6 =	simm.s32 @!p1 $0x8400  }
0x109: {  	[tilespmem:s6], [sflag:$0x1] =	stream.indirect_vreg.gather @!p1 [hbm4b:s9+s3], $0x80, v5, vm1, $0xb8;
	[tilespmem:$0x1F400] =	vst v63  }
0x10a: {  	s10 =	rddreg [dreg:$0xe];
	s6 =	simm.s32 @!p1 $0x8C00  }
0x10b: {  	[tilespmem:s6], [sflag:$0x1] =	stream.indirect_vreg.gather @!p1 [hbm4b:s10+s3], $0x80, v5, vm1, $0xb8;
	[tilespmem:$0x1F400] =	vst v63  }
0x10c: {  	s11 =	rddreg [dreg:$0xf];
	s6 =	simm.s32 @!p1 $0x9400  }
0x10d: {  	v6 =	vor.u32 @!p1 $0x8, v6;
	[tilespmem:s6], [sflag:$0x1] =	stream.indirect_vreg.gather @!p1 [hbm4b:s11+s3], $0x80, v5, vm1, $0xb8;
	[tilespmem:$0x1F400] =	vst v63  }
0x10e: {  	s12 =	rddreg [dreg:$0x10];
	v4 =	vperm.xlane @!p1 v4, v6;
	s6 =	simm.s32 @!p1 $0x9C00  }
0x10f: {  	[tilespmem:s6], [sflag:$0x1] =	stream.indirect_vreg.gather @!p1 [hbm4b:s12+s3], $0x80, v5, vm1, $0xb8;
	[tilespmem:$0x1F400] =	vst v63  }
0x110: {  	s13 =	rddreg [dreg:$0x11];
	v4 =	vadd.s32 @!p1 v7, v4;
	s6 =	simm.s32 @!p1 $0xA400  }
0x111: {  	[tilespmem:s6], [sflag:$0x1] =	stream.indirect_vreg.gather @!p1 [hbm4b:s13+s3], $0x80, v5, vm1, $0xb8;
	[tilespmem:$0x1F400] =	vst v63  }
0x112: {  	s14 =	rddreg [dreg:$0x12];
	s6 =	simm.s32 @!p1 $0xAC00  }
0x113: {  	[tilespmem:s6], [sflag:$0x1] =	stream.indirect_vreg.gather @!p1 [hbm4b:s14+s3], $0x80, v5, vm1, $0xb8;
	[tilespmem:$0x1F400] =	vst v63  }
0x114: {  	s6 =	simm.s32 @!p1 $0xB400  }
0x115: {  	[tilespmem:s6], [sflag:$0x1] =	stream.indirect_vreg.gather @!p1 [hbm4b:s7+s3], $0x80, v4, vm1, $0xb8;
	[tilespmem:$0x1F400] =	vst v63  }
0x116: {  	s6 =	simm.s32 @!p1 $0xBC00  }
0x117: {  	[tilespmem:s6], [sflag:$0x1] =	stream.indirect_vreg.gather @!p1 [hbm4b:s8+s3], $0x80, v4, vm1, $0xb8;
	[tilespmem:$0x1F400] =	vst v63  }
0x118: {  	s6 =	simm.s32 @!p1 $0xC400  }
0x119: {  	[tilespmem:s6], [sflag:$0x1] =	stream.indirect_vreg.gather @!p1 [hbm4b:s9+s3], $0x80, v4, vm1, $0xb8;
	[tilespmem:$0x1F400] =	vst v63  }
0x11a: {  	s6 =	simm.s32 @!p1 $0xCC00  }
0x11b: {  	[tilespmem:s6], [sflag:$0x1] =	stream.indirect_vreg.gather @!p1 [hbm4b:s10+s3], $0x80, v4, vm1, $0xb8;
	[tilespmem:$0x1F400] =	vst v63  }
0x11c: {  	s6 =	simm.s32 @!p1 $0xD400  }
0x11d: {  	[tilespmem:s6], [sflag:$0x1] =	stream.indirect_vreg.gather @!p1 [hbm4b:s11+s3], $0x80, v4, vm1, $0xb8;
	[tilespmem:$0x1F400] =	vst v63  }
0x11e: {  	s6 =	simm.s32 @!p1 $0xDC00  }
0x11f: {  	[tilespmem:s6], [sflag:$0x1] =	stream.indirect_vreg.gather @!p1 [hbm4b:s12+s3], $0x80, v4, vm1, $0xb8;
	[tilespmem:$0x1F400] =	vst v63  }
0x120: {  	s6 =	simm.s32 @!p1 $0xE400  }
0x121: {  	[tilespmem:s6], [sflag:$0x1] =	stream.indirect_vreg.gather @!p1 [hbm4b:s13+s3], $0x80, v4, vm1, $0xb8;
	[tilespmem:$0x1F400] =	vst v63  }
0x122: {  	s6 =	simm.s32 @!p1 $0xEC00  }
0x123: {  	[tilespmem:s6], [sflag:$0x1] =	stream.indirect_vreg.gather @!p1 [hbm4b:s14+s3], $0x80, v4, vm1, $0xb8;
	[tilespmem:$0x1F400] =	vst v63  }
0x124: {  	p1 =	sgt.s32 s1, $0x1  }
0x125: {  	p2 =	slt.s32 @!p1 s24, $0x2  }
0x126: {  	p1 =	por p2, p1  }
0x127: {  	s3 =	sshll.u32 @!p1 s1, $0x7  }
0x128: {  	s3 =	ssub.s32 @!p1 $0x6480, s3  }
0x129: {  	v4 =	vld @!p1 [tilespmem:s3+$0x0];
	_ =	sdelay $0x4  }
0x12a: {  	v5 =	vshll.u32 @!p1 v4, $0x4  }
0x12b: {  	v6 =	vlaneseq.u32 @!p1;
	v4 =	vand.u32 @!p1 $0x7, v4;
	v5 =	vand.u32 @!p1 $0xFFFFFF80, v5  }
0x12c: {  	v7 =	vshrl.u32 @!p1 v6, $0x3;
	v4 =	vor.u32 @!p1 v4, v5;
	v5 =	vand.u32 @!p1 $0x7, v6  }
0x12d: {  	v7 =	vmul.u32 @!p1 $0x8, v7;
	v5 =	vperm.xlane @!p1 v4, v5;
	_ =	sdelay $0x1  }
0x12e: {  	v5 =	vadd.s32 @!p1 v7, v5;
	_ =	sdelay $0x3  }
0x12f: {  	vm1 =	vmmov @!p1 $0xffff;
	s6 =	simm.s32 @!p1 $0xF400;
	s3 =	simm.s32 @!p1 $0x0  }
0x130: {  	[tilespmem:s6], [sflag:$0x2] =	stream.indirect_vreg.gather @!p1 [hbm4b:s7+s3], $0x80, v5, vm1, $0xb8;
	[tilespmem:$0x1F400] =	vst v63  }
0x131: {  	s6 =	simm.s32 @!p1 $0xFC00  }
0x132: {  	[tilespmem:s6], [sflag:$0x2] =	stream.indirect_vreg.gather @!p1 [hbm4b:s8+s3], $0x80, v5, vm1, $0xb8;
	[tilespmem:$0x1F400] =	vst v63  }
0x133: {  	s6 =	simm.s32 @!p1 $0x10400  }
0x134: {  	[tilespmem:s6], [sflag:$0x2] =	stream.indirect_vreg.gather @!p1 [hbm4b:s9+s3], $0x80, v5, vm1, $0xb8;
	[tilespmem:$0x1F400] =	vst v63  }
0x135: {  	s6 =	simm.s32 @!p1 $0x10C00  }
0x136: {  	[tilespmem:s6], [sflag:$0x2] =	stream.indirect_vreg.gather @!p1 [hbm4b:s10+s3], $0x80, v5, vm1, $0xb8;
	[tilespmem:$0x1F400] =	vst v63  }
0x137: {  	s6 =	simm.s32 @!p1 $0x11400  }
0x138: {  	v6 =	vor.u32 @!p1 $0x8, v6;
	[tilespmem:s6], [sflag:$0x2] =	stream.indirect_vreg.gather @!p1 [hbm4b:s11+s3], $0x80, v5, vm1, $0xb8;
	[tilespmem:$0x1F400] =	vst v63  }
0x139: {  	v4 =	vperm.xlane @!p1 v4, v6;
	s6 =	simm.s32 @!p1 $0x11C00  }
0x13a: {  	[tilespmem:s6], [sflag:$0x2] =	stream.indirect_vreg.gather @!p1 [hbm4b:s12+s3], $0x80, v5, vm1, $0xb8;
	[tilespmem:$0x1F400] =	vst v63  }
0x13b: {  	v4 =	vadd.s32 @!p1 v7, v4;
	s6 =	simm.s32 @!p1 $0x12400  }
0x13c: {  	[tilespmem:s6], [sflag:$0x2] =	stream.indirect_vreg.gather @!p1 [hbm4b:s13+s3], $0x80, v5, vm1, $0xb8;
	[tilespmem:$0x1F400] =	vst v63  }
0x13d: {  	s6 =	simm.s32 @!p1 $0x12C00  }
0x13e: {  	[tilespmem:s6], [sflag:$0x2] =	stream.indirect_vreg.gather @!p1 [hbm4b:s14+s3], $0x80, v5, vm1, $0xb8;
	[tilespmem:$0x1F400] =	vst v63  }
0x13f: {  	s6 =	simm.s32 @!p1 $0x13400  }
0x140: {  	[tilespmem:s6], [sflag:$0x2] =	stream.indirect_vreg.gather @!p1 [hbm4b:s7+s3], $0x80, v4, vm1, $0xb8;
	[tilespmem:$0x1F400] =	vst v63  }
0x141: {  	s6 =	simm.s32 @!p1 $0x13C00  }
0x142: {  	[tilespmem:s6], [sflag:$0x2] =	stream.indirect_vreg.gather @!p1 [hbm4b:s8+s3], $0x80, v4, vm1, $0xb8;
	[tilespmem:$0x1F400] =	vst v63  }
0x143: {  	s6 =	simm.s32 @!p1 $0x14400  }
0x144: {  	[tilespmem:s6], [sflag:$0x2] =	stream.indirect_vreg.gather @!p1 [hbm4b:s9+s3], $0x80, v4, vm1, $0xb8;
	[tilespmem:$0x1F400] =	vst v63  }
0x145: {  	s6 =	simm.s32 @!p1 $0x14C00  }
0x146: {  	[tilespmem:s6], [sflag:$0x2] =	stream.indirect_vreg.gather @!p1 [hbm4b:s10+s3], $0x80, v4, vm1, $0xb8;
	[tilespmem:$0x1F400] =	vst v63  }
0x147: {  	s6 =	simm.s32 @!p1 $0x15400  }
0x148: {  	[tilespmem:s6], [sflag:$0x2] =	stream.indirect_vreg.gather @!p1 [hbm4b:s11+s3], $0x80, v4, vm1, $0xb8;
	[tilespmem:$0x1F400] =	vst v63  }
0x149: {  	s6 =	simm.s32 @!p1 $0x15C00  }
0x14a: {  	[tilespmem:s6], [sflag:$0x2] =	stream.indirect_vreg.gather @!p1 [hbm4b:s12+s3], $0x80, v4, vm1, $0xb8;
	[tilespmem:$0x1F400] =	vst v63  }
0x14b: {  	s17 =	sadd.s32 $0x2, s24;
	s6 =	simm.s32 @!p1 $0x16400  }
0x14c: {  	[tilespmem:s6], [sflag:$0x2] =	stream.indirect_vreg.gather @!p1 [hbm4b:s13+s3], $0x80, v4, vm1, $0xb8;
	[tilespmem:$0x1F400] =	vst v63  }
0x14d: {  	s18 =	smulhi.u32 $0x55555556, s17;
	s6 =	sshra.s32 s17, $0x1F  }
0x14e: {  	s8 =	simm.s32 @!p1 $0x16C00;
	s6 =	smul.u32 $0x55555556, s6  }
0x14f: {  	[tilespmem:s8], [sflag:$0x2] =	stream.indirect_vreg.gather @!p1 [hbm4b:s14+s3], $0x80, v4, vm1, $0xb8;
	[tilespmem:$0x1F400] =	vst v63  }
0x150: {  	s19 =	sadd.s32 s6, s18  }
0x151: {  	s6 =	sshrl.u32 s19, $0x1F  }
0x152: {  	s3 =	sadd.s32 s6, s19  }
0x153: {  	s6 =	smul.u32 $0xFFFFFFFD, s3  }
0x154: {  	s25 =	ssub.s32 $0xFFFFFFFE, s24  }
0x155: {  	p5 =	slt.s32 s24, $0xFFFFFFFF;
	p6 =	sne.s32 s6, s25  }
0x156: {  	p1 =	por !p5, !p6  }
0x157: {  	s6 =	simm.s32 $0x1;
	p1 =	por !p1, !p1  }
0x158: {  	s6 =	simm.s32 @!p1 $0x0  }
0x159: {  	s6 =	ssub.s32 s3, s6  }
0x15a: {  	p2 =	slt.s32 s6, $0x0  }
.Ltmp9:
0x15b: {  	_ = 	snop;
	(pc) =	sbr.rel @p2 .LBB2_22-.Ltmp9, $1  }
0x15c: {  	_ =	sdelay $0x3  }
.Ltmp10:
0x15d: {  	s6 =	sshll.u32 s15, $0x9;
	s0 =	sshll.u32 s0, $0x9;
	(pc) =	sbr.rel .LBB2_15-.Ltmp10, $4  }
0x15e: {  	s7 =	simm.s32 $0xFFFFFFFF;
	s0 =	sadd.s32 s0, s6  }
0x15f: {  	s7 =	simm.s32 @!p1 $0x0;
	s6 =	simm.s32 $0x0;
	s0 =	ssub.s32 $0x0, s0  }
0x160: {  	s3 =	sadd.s32 s7, s3;
	s7 =	simm.s32 $0x0;
	s0 =	sshra.s32 s0, $0x2  }
0x161: {  	s25 =	sadd.s32 $0x1, s3;
	s3 =	simm.s32 $0x0;
	s0 =	sadd.s32 $0x4400, s0  }
.LBB2_21:
0x162: {  	s25 =	sadd.s32 $0xFFFFFFFF, s25  }
0x163: {  	p1 =	sne.s32 s25, $0x0  }
.Ltmp11:
0x164: {  	_ = 	snop;
	(pc) =	sbr.rel @!p1 .LBB2_22-.Ltmp11, $2  }
0x165: {  	_ =	sdelay $0x2  }
0x166: {  	s6 =	sadd.s32 $0x1, s6;
	s3 =	sadd.s32 $0x600, s3;
	s7 =	smov.u32 s10  }
.LBB2_15:
0x167: {  	p2 =	sge.s32 s7, s24  }
0x168: {  	s8 =	simm.s32 @!p2 $0x1;
	s9 =	sshra.s32 @!p2 s3, $0x2  }
0x169: {  	p1 =	slt.s32 @!p2 s7, s1;
	_ =	swait.ge @!p2 [sflag:s8], $0x8000;
	s10 =	sadd.s32 @!p2 $0x5400, s9  }
0x16a: {  	s9 =	sadd.s32 @!p2 s9, s0;
	p1 =	por !p1, p2;
	[sflag:s8] =	ssyncset.done @!p2 $0x0  }
0x16b: {  	s10 =	smov.u32 @p1 s9;
	[sflag:s8] =	ssyncadd.s32 @!p2 $0xFFFF8000  }
0x16c: {  	v4 =	vld @!p2 [tilespmem:s10+$0x0];
	_ =	sdelay $0x4  }
0x16d: {  	v5 =	vshll.u32 @!p2 v4, $0x4  }
0x16e: {  	v6 =	vlaneseq.u32 @!p2;
	v4 =	vand.u32 @!p2 $0x7, v4;
	v5 =	vand.u32 @!p2 $0xFFFFFF80, v5  }
0x16f: {  	v7 =	vshrl.u32 @!p2 v6, $0x3;
	v4 =	vor.u32 @!p2 v4, v5;
	v5 =	vand.u32 @!p2 $0x7, v6  }
0x170: {  	v7 =	vmul.u32 @!p2 $0x8, v7;
	v5 =	vperm.xlane @!p2 v4, v5;
	_ =	sdelay $0x1  }
0x171: {  	v5 =	vadd.s32 @!p2 v7, v5;
	_ =	sdelay $0x3  }
0x172: {  	vm1 =	vmmov @!p2 $0xffff;
	s9 =	simm.s32 @!p2 $0x7400;
	s8 =	simm.s32 @!p2 $0x0  }
0x173: {  	[hbm4b:s5+s8] =	stream.indirect_vreg.scatter @!p2 [tilespmem:s9], [sflag:$0x4], $0x80, v5, vm1, $0xb8;
	[tilespmem:$0x1F400] =	vst v63  }
0x174: {  	s9 =	simm.s32 @!p2 $0x7C00  }
0x175: {  	[hbm4b:s20+s8] =	stream.indirect_vreg.scatter @!p2 [tilespmem:s9], [sflag:$0x4], $0x80, v5, vm1, $0xb8;
	[tilespmem:$0x1F400] =	vst v63  }
0x176: {  	s9 =	simm.s32 @!p2 $0x8400  }
0x177: {  	[hbm4b:s22+s8] =	stream.indirect_vreg.scatter @!p2 [tilespmem:s9], [sflag:$0x4], $0x80, v5, vm1, $0xb8;
	[tilespmem:$0x1F400] =	vst v63  }
0x178: {  	s9 =	simm.s32 @!p2 $0x8C00  }
0x179: {  	[hbm4b:s23+s8] =	stream.indirect_vreg.scatter @!p2 [tilespmem:s9], [sflag:$0x4], $0x80, v5, vm1, $0xb8;
	[tilespmem:$0x1F400] =	vst v63  }
0x17a: {  	s9 =	simm.s32 @!p2 $0x9400  }
0x17b: {  	v6 =	vor.u32 @!p2 $0x8, v6;
	[hbm4b:s26+s8] =	stream.indirect_vreg.scatter @!p2 [tilespmem:s9], [sflag:$0x4], $0x80, v5, vm1, $0xb8;
	[tilespmem:$0x1F400] =	vst v63  }
0x17c: {  	v4 =	vperm.xlane @!p2 v4, v6;
	s9 =	simm.s32 @!p2 $0x9C00  }
0x17d: {  	[hbm4b:s28+s8] =	stream.indirect_vreg.scatter @!p2 [tilespmem:s9], [sflag:$0x4], $0x80, v5, vm1, $0xb8;
	[tilespmem:$0x1F400] =	vst v63  }
0x17e: {  	v4 =	vadd.s32 @!p2 v7, v4;
	s9 =	simm.s32 @!p2 $0xA400  }
0x17f: {  	[hbm4b:s29+s8] =	stream.indirect_vreg.scatter @!p2 [tilespmem:s9], [sflag:$0x4], $0x80, v5, vm1, $0xb8;
	[tilespmem:$0x1F400] =	vst v63  }
0x180: {  	s9 =	simm.s32 @!p2 $0xAC00  }
0x181: {  	[hbm4b:s30+s8] =	stream.indirect_vreg.scatter @!p2 [tilespmem:s9], [sflag:$0x4], $0x80, v5, vm1, $0xb8;
	[tilespmem:$0x1F400] =	vst v63  }
0x182: {  	s9 =	simm.s32 @!p2 $0xB400  }
0x183: {  	[hbm4b:s5+s8] =	stream.indirect_vreg.scatter @!p2 [tilespmem:s9], [sflag:$0x4], $0x80, v4, vm1, $0xb8;
	[tilespmem:$0x1F400] =	vst v63  }
0x184: {  	s9 =	simm.s32 @!p2 $0xBC00  }
0x185: {  	[hbm4b:s20+s8] =	stream.indirect_vreg.scatter @!p2 [tilespmem:s9], [sflag:$0x4], $0x80, v4, vm1, $0xb8;
	[tilespmem:$0x1F400] =	vst v63  }
0x186: {  	s9 =	simm.s32 @!p2 $0xC400  }
0x187: {  	[hbm4b:s22+s8] =	stream.indirect_vreg.scatter @!p2 [tilespmem:s9], [sflag:$0x4], $0x80, v4, vm1, $0xb8;
	[tilespmem:$0x1F400] =	vst v63  }
0x188: {  	s9 =	simm.s32 @!p2 $0xCC00  }
0x189: {  	[hbm4b:s23+s8] =	stream.indirect_vreg.scatter @!p2 [tilespmem:s9], [sflag:$0x4], $0x80, v4, vm1, $0xb8;
	[tilespmem:$0x1F400] =	vst v63  }
0x18a: {  	s9 =	simm.s32 @!p2 $0xD400  }
0x18b: {  	[hbm4b:s26+s8] =	stream.indirect_vreg.scatter @!p2 [tilespmem:s9], [sflag:$0x4], $0x80, v4, vm1, $0xb8;
	[tilespmem:$0x1F400] =	vst v63  }
0x18c: {  	s9 =	simm.s32 @!p2 $0xDC00  }
0x18d: {  	[hbm4b:s28+s8] =	stream.indirect_vreg.scatter @!p2 [tilespmem:s9], [sflag:$0x4], $0x80, v4, vm1, $0xb8;
	[tilespmem:$0x1F400] =	vst v63  }
0x18e: {  	s9 =	simm.s32 @!p2 $0xE400  }
0x18f: {  	[hbm4b:s29+s8] =	stream.indirect_vreg.scatter @!p2 [tilespmem:s9], [sflag:$0x4], $0x80, v4, vm1, $0xb8;
	[tilespmem:$0x1F400] =	vst v63  }
0x190: {  	p1 =	seq.s32 s7, $0x0;
	s9 =	simm.s32 @!p2 $0xEC00  }
0x191: {  	[hbm4b:s30+s8] =	stream.indirect_vreg.scatter @!p2 [tilespmem:s9], [sflag:$0x4], $0x80, v4, vm1, $0xb8;
	[tilespmem:$0x1F400] =	vst v63  }
0x192: {  	p3 =	sgt.s32 @!p1 s7, s24;
	s9 =	sadd.s32 $0x2, s7  }
0x193: {  	p3 =	por p3, p1;
	p1 =	sge.s32 s9, s24  }
.Ltmp12:
0x194: {  	_ = 	snop;
	(pc) =	sbr.rel @p1 .LBB2_17-.Ltmp12, $4  }
0x195: {  	s10 =	simm.s32 @!p3 $0x6  }
0x196: {  	_ =	swait.ge @!p3 [sflag:s10], $0x8000  }
0x197: {  	[sflag:s10] =	ssyncset.done @!p3 $0x0  }
0x198: {  	s8 =	smul.u32 $0x3, s6;
	[sflag:s10] =	ssyncadd.s32 @!p3 $0xFFFF8000  }
0x199: {  	_ = 	snop  }
0x19a: {  	p3 =	slt.s32 s9, s1;
	s10 =	sadd.s32 $0x2, s8  }
0x19b: {  	s10 =	ssub.s32 @!p3 s10, s1  }
0x19c: {  	s10 =	smov.u32 @p3 s9  }
0x19d: {  	s11 =	simm.s32 @!p3 $0x6400;
	s10 =	sshll.u32 s10, $0x9  }
0x19e: {  	s11 =	simm.s32 @p3 $0x5400;
	s10 =	sshra.s32 s10, $0x2  }
0x19f: {  	s10 =	sadd.s32 s10, s11  }
0x1a0: {  	v4 =	vld [tilespmem:s10+$0x0];
	_ =	sdelay $0x4  }
0x1a1: {  	v5 =	vshll.u32 v4, $0x4  }
0x1a2: {  	v4 =	vand.u32 $0x7, v4;
	v5 =	vand.u32 $0xFFFFFF80, v5  }
0x1a3: {  	v4 =	vor.u32 v4, v5  }
0x1a4: {  	v5 =	vperm.xlane v4, v1  }
0x1a5: {  	s13 =	rddreg [dreg:$0x5]  }
0x1a6: {  	s14 =	rddreg [dreg:$0xd];
	v5 =	vadd.s32 v2, v5  }
0x1a7: {  	s11 =	rddreg [dreg:$0x0]  }
0x1a8: {  	s10 =	rddreg [dreg:$0x2]  }
0x1a9: {  	s10 =	smov.u32 @p3 s11;
	s11 =	rddreg [dreg:$0xc]  }
0x1aa: {  	s12 =	simm.s32 $0x17400;
	s11 =	smov.u32 @p3 s13;
	s13 =	rddreg [dreg:$0x6]  }
0x1ab: {  	[tilespmem:s12], [sflag:$0x3] =	stream.indirect_vreg.gather [hbm4b:s10+s31], $0x80, v5, vm0, $0xb8;
	[tilespmem:$0x1F400] =	vst v63  }
0x1ac: {  	s15 =	simm.s32 $0x17C00;
	s14 =	smov.u32 @p3 s13;
	s13 =	rddreg [dreg:$0x7]  }
0x1ad: {  	[tilespmem:s15], [sflag:$0x3] =	stream.indirect_vreg.gather [hbm4b:s11+s31], $0x80, v5, vm0, $0xb8;
	[tilespmem:$0x1F400] =	vst v63  }
0x1ae: {  	s15 =	rddreg [dreg:$0xe]  }
0x1af: {  	s16 =	simm.s32 $0x18400;
	s15 =	smov.u32 @p3 s13;
	s13 =	rddreg [dreg:$0x8]  }
0x1b0: {  	[tilespmem:s16], [sflag:$0x3] =	stream.indirect_vreg.gather [hbm4b:s14+s31], $0x80, v5, vm0, $0xb8;
	[tilespmem:$0x1F400] =	vst v63  }
0x1b1: {  	s16 =	rddreg [dreg:$0xf]  }
0x1b2: {  	s17 =	simm.s32 $0x18C00;
	s16 =	smov.u32 @p3 s13;
	s13 =	rddreg [dreg:$0x9]  }
0x1b3: {  	[tilespmem:s17], [sflag:$0x3] =	stream.indirect_vreg.gather [hbm4b:s15+s31], $0x80, v5, vm0, $0xb8;
	[tilespmem:$0x1F400] =	vst v63  }
0x1b4: {  	s17 =	rddreg [dreg:$0x10]  }
0x1b5: {  	s18 =	simm.s32 $0x19400;
	s17 =	smov.u32 @p3 s13;
	s13 =	rddreg [dreg:$0xa]  }
0x1b6: {  	[tilespmem:s18], [sflag:$0x3] =	stream.indirect_vreg.gather [hbm4b:s16+s31], $0x80, v5, vm0, $0xb8;
	[tilespmem:$0x1F400] =	vst v63  }
0x1b7: {  	s19 =	simm.s32 $0x19C00;
	s18 =	rddreg [dreg:$0x11]  }
0x1b8: {  	v4 =	vperm.xlane v4, v3;
	[tilespmem:s19], [sflag:$0x3] =	stream.indirect_vreg.gather [hbm4b:s17+s31], $0x80, v5, vm0, $0xb8;
	[tilespmem:$0x1F400] =	vst v63  }
0x1b9: {  	s18 =	smov.u32 @p3 s13;
	s13 =	simm.s32 $0x1A400;
	s19 =	rddreg [dreg:$0x12]  }
0x1ba: {  	v4 =	vadd.s32 v2, v4;
	[tilespmem:s13], [sflag:$0x3] =	stream.indirect_vreg.gather [hbm4b:s18+s31], $0x80, v5, vm0, $0xb8;
	[tilespmem:$0x1F400] =	vst v63  }
0x1bb: {  	s13 =	rddreg [dreg:$0xb]  }
0x1bc: {  	s19 =	smov.u32 @p3 s13;
	s13 =	simm.s32 $0x1AC00  }
0x1bd: {  	[tilespmem:s13], [sflag:$0x3] =	stream.indirect_vreg.gather [hbm4b:s19+s31], $0x80, v5, vm0, $0xb8;
	[tilespmem:$0x1F400] =	vst v63  }
0x1be: {  	s13 =	simm.s32 $0x1B400  }
0x1bf: {  	[tilespmem:s13], [sflag:$0x3] =	stream.indirect_vreg.gather [hbm4b:s10+s31], $0x80, v4, vm0, $0xb8;
	[tilespmem:$0x1F400] =	vst v63  }
0x1c0: {  	s12 =	simm.s32 $0x1BC00  }
0x1c1: {  	[tilespmem:s12], [sflag:$0x3] =	stream.indirect_vreg.gather [hbm4b:s11+s31], $0x80, v4, vm0, $0xb8;
	[tilespmem:$0x1F400] =	vst v63  }
0x1c2: {  	s13 =	simm.s32 $0x1C400  }
0x1c3: {  	[tilespmem:s13], [sflag:$0x3] =	stream.indirect_vreg.gather [hbm4b:s14+s31], $0x80, v4, vm0, $0xb8;
	[tilespmem:$0x1F400] =	vst v63  }
0x1c4: {  	s14 =	simm.s32 $0x1CC00  }
0x1c5: {  	[tilespmem:s14], [sflag:$0x3] =	stream.indirect_vreg.gather [hbm4b:s15+s31], $0x80, v4, vm0, $0xb8;
	[tilespmem:$0x1F400] =	vst v63  }
0x1c6: {  	s15 =	simm.s32 $0x1D400  }
0x1c7: {  	[tilespmem:s15], [sflag:$0x3] =	stream.indirect_vreg.gather [hbm4b:s16+s31], $0x80, v4, vm0, $0xb8;
	[tilespmem:$0x1F400] =	vst v63  }
0x1c8: {  	s16 =	simm.s32 $0x1DC00  }
0x1c9: {  	[tilespmem:s16], [sflag:$0x3] =	stream.indirect_vreg.gather [hbm4b:s17+s31], $0x80, v4, vm0, $0xb8;
	[tilespmem:$0x1F400] =	vst v63  }
0x1ca: {  	s17 =	simm.s32 $0x1E400  }
0x1cb: {  	[tilespmem:s17], [sflag:$0x3] =	stream.indirect_vreg.gather [hbm4b:s18+s31], $0x80, v4, vm0, $0xb8;
	[tilespmem:$0x1F400] =	vst v63  }
0x1cc: {  	s18 =	simm.s32 $0x1EC00  }
0x1cd: {  	[tilespmem:s18], [sflag:$0x3] =	stream.indirect_vreg.gather [hbm4b:s19+s31], $0x80, v4, vm0, $0xb8;
	[tilespmem:$0x1F400] =	vst v63  }
.LBB2_17:
0x1ce: {  	s10 =	sadd.s32 $0x1, s7  }
0x1cf: {  	p3 =	sge.s32 s10, s24  }
0x1d0: {  	p4 =	slt.s32 @!p3 s10, s1  }
0x1d1: {  	s10 =	smov.u32 s1;
	p4 =	por !p4, p3  }
0x1d2: {  	s10 =	simm.s32 @!p4 $0x0  }
0x1d3: {  	s10 =	sshll.u32 @!p3 s10, $0x9  }
0x1d4: {  	s11 =	simm.s32 @!p3 $0x2;
	s14 =	simm.s32 @!p3 $0x5400;
	s10 =	ssub.s32 @!p3 $0x0, s10  }
0x1d5: {  	_ =	swait.ge @!p3 [sflag:s11], $0x8000;
	s14 =	simm.s32 @p4 $0x4400;
	s10 =	sshra.s32 @!p3 s10, $0x2  }
0x1d6: {  	[sflag:s11] =	ssyncset.done @!p3 $0x0;
	s10 =	sadd.s32 @!p3 s10, s14;
	s14 =	sshra.s32 @!p3 s3, $0x2  }
0x1d7: {  	[sflag:s11] =	ssyncadd.s32 @!p3 $0xFFFF8000;
	s10 =	sadd.s32 @!p3 s14, s10  }
0x1d8: {  	v4 =	vld @!p3 [tilespmem:s10+$0x80];
	_ =	sdelay $0x4  }
0x1d9: {  	v5 =	vshll.u32 @!p3 v4, $0x4  }
0x1da: {  	v6 =	vlaneseq.u32 @!p3;
	v4 =	vand.u32 @!p3 $0x7, v4;
	v5 =	vand.u32 @!p3 $0xFFFFFF80, v5  }
0x1db: {  	v7 =	vshrl.u32 @!p3 v6, $0x3;
	v4 =	vor.u32 @!p3 v4, v5;
	v5 =	vand.u32 @!p3 $0x7, v6  }
0x1dc: {  	v7 =	vmul.u32 @!p3 $0x8, v7;
	v5 =	vperm.xlane @!p3 v4, v5;
	_ =	sdelay $0x1  }
0x1dd: {  	v5 =	vadd.s32 @!p3 v7, v5;
	_ =	sdelay $0x3  }
0x1de: {  	vm1 =	vmmov @!p3 $0xffff;
	s11 =	simm.s32 @!p3 $0xF400;
	s10 =	simm.s32 @!p3 $0x0  }
0x1df: {  	[hbm4b:s5+s10] =	stream.indirect_vreg.scatter @!p3 [tilespmem:s11], [sflag:$0x5], $0x80, v5, vm1, $0xb8;
	[tilespmem:$0x1F400] =	vst v63  }
0x1e0: {  	s11 =	simm.s32 @!p3 $0xFC00  }
0x1e1: {  	[hbm4b:s20+s10] =	stream.indirect_vreg.scatter @!p3 [tilespmem:s11], [sflag:$0x5], $0x80, v5, vm1, $0xb8;
	[tilespmem:$0x1F400] =	vst v63  }
0x1e2: {  	s11 =	simm.s32 @!p3 $0x10400  }
0x1e3: {  	[hbm4b:s22+s10] =	stream.indirect_vreg.scatter @!p3 [tilespmem:s11], [sflag:$0x5], $0x80, v5, vm1, $0xb8;
	[tilespmem:$0x1F400] =	vst v63  }
0x1e4: {  	s11 =	simm.s32 @!p3 $0x10C00  }
0x1e5: {  	[hbm4b:s23+s10] =	stream.indirect_vreg.scatter @!p3 [tilespmem:s11], [sflag:$0x5], $0x80, v5, vm1, $0xb8;
	[tilespmem:$0x1F400] =	vst v63  }
0x1e6: {  	s11 =	simm.s32 @!p3 $0x11400  }
0x1e7: {  	v6 =	vor.u32 @!p3 $0x8, v6;
	[hbm4b:s26+s10] =	stream.indirect_vreg.scatter @!p3 [tilespmem:s11], [sflag:$0x5], $0x80, v5, vm1, $0xb8;
	[tilespmem:$0x1F400] =	vst v63  }
0x1e8: {  	v4 =	vperm.xlane @!p3 v4, v6;
	s11 =	simm.s32 @!p3 $0x11C00  }
0x1e9: {  	[hbm4b:s28+s10] =	stream.indirect_vreg.scatter @!p3 [tilespmem:s11], [sflag:$0x5], $0x80, v5, vm1, $0xb8;
	[tilespmem:$0x1F400] =	vst v63  }
0x1ea: {  	v4 =	vadd.s32 @!p3 v7, v4;
	s11 =	simm.s32 @!p3 $0x12400  }
0x1eb: {  	[hbm4b:s29+s10] =	stream.indirect_vreg.scatter @!p3 [tilespmem:s11], [sflag:$0x5], $0x80, v5, vm1, $0xb8;
	[tilespmem:$0x1F400] =	vst v63  }
0x1ec: {  	s11 =	simm.s32 @!p3 $0x12C00  }
0x1ed: {  	[hbm4b:s30+s10] =	stream.indirect_vreg.scatter @!p3 [tilespmem:s11], [sflag:$0x5], $0x80, v5, vm1, $0xb8;
	[tilespmem:$0x1F400] =	vst v63  }
0x1ee: {  	s11 =	simm.s32 @!p3 $0x13400  }
0x1ef: {  	[hbm4b:s5+s10] =	stream.indirect_vreg.scatter @!p3 [tilespmem:s11], [sflag:$0x5], $0x80, v4, vm1, $0xb8;
	[tilespmem:$0x1F400] =	vst v63  }
0x1f0: {  	s11 =	simm.s32 @!p3 $0x13C00  }
0x1f1: {  	[hbm4b:s20+s10] =	stream.indirect_vreg.scatter @!p3 [tilespmem:s11], [sflag:$0x5], $0x80, v4, vm1, $0xb8;
	[tilespmem:$0x1F400] =	vst v63  }
0x1f2: {  	s11 =	simm.s32 @!p3 $0x14400  }
0x1f3: {  	[hbm4b:s22+s10] =	stream.indirect_vreg.scatter @!p3 [tilespmem:s11], [sflag:$0x5], $0x80, v4, vm1, $0xb8;
	[tilespmem:$0x1F400] =	vst v63  }
0x1f4: {  	s11 =	simm.s32 @!p3 $0x14C00  }
0x1f5: {  	[hbm4b:s23+s10] =	stream.indirect_vreg.scatter @!p3 [tilespmem:s11], [sflag:$0x5], $0x80, v4, vm1, $0xb8;
	[tilespmem:$0x1F400] =	vst v63  }
0x1f6: {  	s11 =	simm.s32 @!p3 $0x15400  }
0x1f7: {  	[hbm4b:s26+s10] =	stream.indirect_vreg.scatter @!p3 [tilespmem:s11], [sflag:$0x5], $0x80, v4, vm1, $0xb8;
	[tilespmem:$0x1F400] =	vst v63  }
0x1f8: {  	s11 =	simm.s32 @!p3 $0x15C00  }
0x1f9: {  	[hbm4b:s28+s10] =	stream.indirect_vreg.scatter @!p3 [tilespmem:s11], [sflag:$0x5], $0x80, v4, vm1, $0xb8;
	[tilespmem:$0x1F400] =	vst v63  }
0x1fa: {  	s11 =	simm.s32 @!p3 $0x16400  }
0x1fb: {  	[hbm4b:s29+s10] =	stream.indirect_vreg.scatter @!p3 [tilespmem:s11], [sflag:$0x5], $0x80, v4, vm1, $0xb8;
	[tilespmem:$0x1F400] =	vst v63  }
0x1fc: {  	s11 =	simm.s32 @!p3 $0x16C00  }
0x1fd: {  	[hbm4b:s30+s10] =	stream.indirect_vreg.scatter @!p3 [tilespmem:s11], [sflag:$0x5], $0x80, v4, vm1, $0xb8;
	[tilespmem:$0x1F400] =	vst v63  }
0x1fe: {  	s10 =	sadd.s32 $0x3, s7  }
0x1ff: {  	p3 =	sge.s32 s10, s24  }
.Ltmp13:
0x200: {  	_ = 	snop;
	(pc) =	sbr.rel @p3 .LBB2_19-.Ltmp13, $4  }
0x201: {  	s11 =	simm.s32 @!p2 $0x4  }
0x202: {  	_ =	swait.ge @!p2 [sflag:s11], $0x8000  }
0x203: {  	[sflag:s11] =	ssyncset.done @!p2 $0x0  }
0x204: {  	[sflag:s11] =	ssyncadd.s32 @!p2 $0xFFFF8000  }
0x205: {  	s11 =	sadd.s32 $0x3, s8;
	p2 =	slt.s32 s10, s1  }
0x206: {  	s11 =	ssub.s32 @!p2 s11, s1  }
0x207: {  	s11 =	smov.u32 @p2 s10  }
0x208: {  	s14 =	simm.s32 @!p2 $0x6400;
	s11 =	sshll.u32 s11, $0x9  }
0x209: {  	s14 =	simm.s32 @p2 $0x5400;
	s11 =	sshra.s32 s11, $0x2  }
0x20a: {  	s11 =	sadd.s32 s11, s14  }
0x20b: {  	v4 =	vld [tilespmem:s11+$0x0];
	_ =	sdelay $0x4  }
0x20c: {  	v5 =	vshll.u32 v4, $0x4  }
0x20d: {  	v4 =	vand.u32 $0x7, v4;
	v5 =	vand.u32 $0xFFFFFF80, v5  }
0x20e: {  	v4 =	vor.u32 v4, v5  }
0x20f: {  	v5 =	vperm.xlane v4, v1  }
0x210: {  	s13 =	rddreg [dreg:$0x0]  }
0x211: {  	s15 =	rddreg [dreg:$0xd];
	v5 =	vadd.s32 v2, v5  }
0x212: {  	s14 =	rddreg [dreg:$0xc]  }
0x213: {  	s11 =	rddreg [dreg:$0x2]  }
0x214: {  	s11 =	smov.u32 @p2 s13;
	s13 =	rddreg [dreg:$0x5]  }
0x215: {  	s12 =	simm.s32 $0x7400;
	s14 =	smov.u32 @p2 s13;
	s13 =	rddreg [dreg:$0x6]  }
0x216: {  	[tilespmem:s12], [sflag:$0x1] =	stream.indirect_vreg.gather [hbm4b:s11+s31], $0x80, v5, vm0, $0xb8;
	[tilespmem:$0x1F400] =	vst v63  }
0x217: {  	s16 =	simm.s32 $0x7C00;
	s15 =	smov.u32 @p2 s13;
	s13 =	rddreg [dreg:$0x7]  }
0x218: {  	[tilespmem:s16], [sflag:$0x1] =	stream.indirect_vreg.gather [hbm4b:s14+s31], $0x80, v5, vm0, $0xb8;
	[tilespmem:$0x1F400] =	vst v63  }
0x219: {  	s16 =	rddreg [dreg:$0xe]  }
0x21a: {  	s17 =	simm.s32 $0x8400;
	s16 =	smov.u32 @p2 s13;
	s13 =	rddreg [dreg:$0x8]  }
0x21b: {  	[tilespmem:s17], [sflag:$0x1] =	stream.indirect_vreg.gather [hbm4b:s15+s31], $0x80, v5, vm0, $0xb8;
	[tilespmem:$0x1F400] =	vst v63  }
0x21c: {  	s17 =	rddreg [dreg:$0xf]  }
0x21d: {  	s18 =	simm.s32 $0x8C00;
	s17 =	smov.u32 @p2 s13;
	s13 =	rddreg [dreg:$0x9]  }
0x21e: {  	[tilespmem:s18], [sflag:$0x1] =	stream.indirect_vreg.gather [hbm4b:s16+s31], $0x80, v5, vm0, $0xb8;
	[tilespmem:$0x1F400] =	vst v63  }
0x21f: {  	s19 =	simm.s32 $0x9400;
	s18 =	rddreg [dreg:$0x10]  }
0x220: {  	[tilespmem:s19], [sflag:$0x1] =	stream.indirect_vreg.gather [hbm4b:s17+s31], $0x80, v5, vm0, $0xb8;
	[tilespmem:$0x1F400] =	vst v63  }
0x221: {  	s18 =	smov.u32 @p2 s13;
	s13 =	simm.s32 $0x9C00;
	s19 =	rddreg [dreg:$0x11]  }
0x222: {  	[tilespmem:s13], [sflag:$0x1] =	stream.indirect_vreg.gather [hbm4b:s18+s31], $0x80, v5, vm0, $0xb8;
	[tilespmem:$0x1F400] =	vst v63  }
0x223: {  	v4 =	vperm.xlane v4, v3;
	s13 =	rddreg [dreg:$0xa]  }
0x224: {  	s12 =	simm.s32 $0xA400;
	s19 =	smov.u32 @p2 s13;
	s13 =	rddreg [dreg:$0x12]  }
0x225: {  	v4 =	vadd.s32 v2, v4;
	[tilespmem:s12], [sflag:$0x1] =	stream.indirect_vreg.gather [hbm4b:s19+s31], $0x80, v5, vm0, $0xb8;
	[tilespmem:$0x1F400] =	vst v63  }
0x226: {  	s12 =	rddreg [dreg:$0xb]  }
0x227: {  	s13 =	smov.u32 @p2 s12;
	s12 =	simm.s32 $0xAC00  }
0x228: {  	[tilespmem:s12], [sflag:$0x1] =	stream.indirect_vreg.gather [hbm4b:s13+s31], $0x80, v5, vm0, $0xb8;
	[tilespmem:$0x1F400] =	vst v63  }
0x229: {  	s12 =	simm.s32 $0xB400  }
0x22a: {  	[tilespmem:s12], [sflag:$0x1] =	stream.indirect_vreg.gather [hbm4b:s11+s31], $0x80, v4, vm0, $0xb8;
	[tilespmem:$0x1F400] =	vst v63  }
0x22b: {  	s12 =	simm.s32 $0xBC00  }
0x22c: {  	[tilespmem:s12], [sflag:$0x1] =	stream.indirect_vreg.gather [hbm4b:s14+s31], $0x80, v4, vm0, $0xb8;
	[tilespmem:$0x1F400] =	vst v63  }
0x22d: {  	s14 =	simm.s32 $0xC400  }
0x22e: {  	[tilespmem:s14], [sflag:$0x1] =	stream.indirect_vreg.gather [hbm4b:s15+s31], $0x80, v4, vm0, $0xb8;
	[tilespmem:$0x1F400] =	vst v63  }
0x22f: {  	s15 =	simm.s32 $0xCC00  }
0x230: {  	[tilespmem:s15], [sflag:$0x1] =	stream.indirect_vreg.gather [hbm4b:s16+s31], $0x80, v4, vm0, $0xb8;
	[tilespmem:$0x1F400] =	vst v63  }
0x231: {  	s16 =	simm.s32 $0xD400  }
0x232: {  	[tilespmem:s16], [sflag:$0x1] =	stream.indirect_vreg.gather [hbm4b:s17+s31], $0x80, v4, vm0, $0xb8;
	[tilespmem:$0x1F400] =	vst v63  }
0x233: {  	s17 =	simm.s32 $0xDC00  }
0x234: {  	[tilespmem:s17], [sflag:$0x1] =	stream.indirect_vreg.gather [hbm4b:s18+s31], $0x80, v4, vm0, $0xb8;
	[tilespmem:$0x1F400] =	vst v63  }
0x235: {  	s18 =	simm.s32 $0xE400  }
0x236: {  	[tilespmem:s18], [sflag:$0x1] =	stream.indirect_vreg.gather [hbm4b:s19+s31], $0x80, v4, vm0, $0xb8;
	[tilespmem:$0x1F400] =	vst v63  }
0x237: {  	s19 =	simm.s32 $0xEC00  }
0x238: {  	[tilespmem:s19], [sflag:$0x1] =	stream.indirect_vreg.gather [hbm4b:s13+s31], $0x80, v4, vm0, $0xb8;
	[tilespmem:$0x1F400] =	vst v63  }
.LBB2_19:
0x239: {  	p2 =	slt.s32 @!p1 s9, s1  }
0x23a: {  	s11 =	smov.u32 s1;
	p2 =	por !p2, p1  }
0x23b: {  	s11 =	simm.s32 @!p2 $0x0  }
0x23c: {  	s11 =	sshll.u32 @!p1 s11, $0x9  }
0x23d: {  	s13 =	simm.s32 @!p1 $0x3;
	s14 =	simm.s32 @!p1 $0x5400;
	s11 =	ssub.s32 @!p1 $0x0, s11  }
0x23e: {  	_ =	swait.ge @!p1 [sflag:s13], $0x8000;
	s14 =	simm.s32 @p2 $0x4400;
	s11 =	sshra.s32 @!p1 s11, $0x2  }
0x23f: {  	[sflag:s13] =	ssyncset.done @!p1 $0x0;
	s11 =	sadd.s32 @!p1 s11, s14;
	s14 =	sshra.s32 @!p1 s3, $0x2  }
0x240: {  	[sflag:s13] =	ssyncadd.s32 @!p1 $0xFFFF8000;
	s11 =	sadd.s32 @!p1 s14, s11  }
0x241: {  	v4 =	vld @!p1 [tilespmem:s11+$0x100];
	_ =	sdelay $0x4  }
0x242: {  	v5 =	vshll.u32 @!p1 v4, $0x4  }
0x243: {  	v6 =	vlaneseq.u32 @!p1;
	v4 =	vand.u32 @!p1 $0x7, v4;
	v5 =	vand.u32 @!p1 $0xFFFFFF80, v5  }
0x244: {  	v7 =	vshrl.u32 @!p1 v6, $0x3;
	v4 =	vor.u32 @!p1 v4, v5;
	v5 =	vand.u32 @!p1 $0x7, v6  }
0x245: {  	v7 =	vmul.u32 @!p1 $0x8, v7;
	v5 =	vperm.xlane @!p1 v4, v5;
	_ =	sdelay $0x1  }
0x246: {  	v5 =	vadd.s32 @!p1 v7, v5;
	_ =	sdelay $0x3  }
0x247: {  	vm1 =	vmmov @!p1 $0xffff;
	s13 =	simm.s32 @!p1 $0x17400;
	s11 =	simm.s32 @!p1 $0x0  }
0x248: {  	[hbm4b:s5+s11] =	stream.indirect_vreg.scatter @!p1 [tilespmem:s13], [sflag:$0x6], $0x80, v5, vm1, $0xb8;
	[tilespmem:$0x1F400] =	vst v63  }
0x249: {  	s13 =	simm.s32 @!p1 $0x17C00  }
0x24a: {  	[hbm4b:s20+s11] =	stream.indirect_vreg.scatter @!p1 [tilespmem:s13], [sflag:$0x6], $0x80, v5, vm1, $0xb8;
	[tilespmem:$0x1F400] =	vst v63  }
0x24b: {  	s13 =	simm.s32 @!p1 $0x18400  }
0x24c: {  	[hbm4b:s22+s11] =	stream.indirect_vreg.scatter @!p1 [tilespmem:s13], [sflag:$0x6], $0x80, v5, vm1, $0xb8;
	[tilespmem:$0x1F400] =	vst v63  }
0x24d: {  	s13 =	simm.s32 @!p1 $0x18C00  }
0x24e: {  	[hbm4b:s23+s11] =	stream.indirect_vreg.scatter @!p1 [tilespmem:s13], [sflag:$0x6], $0x80, v5, vm1, $0xb8;
	[tilespmem:$0x1F400] =	vst v63  }
0x24f: {  	s13 =	simm.s32 @!p1 $0x19400  }
0x250: {  	v6 =	vor.u32 @!p1 $0x8, v6;
	[hbm4b:s26+s11] =	stream.indirect_vreg.scatter @!p1 [tilespmem:s13], [sflag:$0x6], $0x80, v5, vm1, $0xb8;
	[tilespmem:$0x1F400] =	vst v63  }
0x251: {  	v4 =	vperm.xlane @!p1 v4, v6;
	s13 =	simm.s32 @!p1 $0x19C00  }
0x252: {  	[hbm4b:s28+s11] =	stream.indirect_vreg.scatter @!p1 [tilespmem:s13], [sflag:$0x6], $0x80, v5, vm1, $0xb8;
	[tilespmem:$0x1F400] =	vst v63  }
0x253: {  	v4 =	vadd.s32 @!p1 v7, v4;
	s13 =	simm.s32 @!p1 $0x1A400  }
0x254: {  	[hbm4b:s29+s11] =	stream.indirect_vreg.scatter @!p1 [tilespmem:s13], [sflag:$0x6], $0x80, v5, vm1, $0xb8;
	[tilespmem:$0x1F400] =	vst v63  }
0x255: {  	s13 =	simm.s32 @!p1 $0x1AC00  }
0x256: {  	[hbm4b:s30+s11] =	stream.indirect_vreg.scatter @!p1 [tilespmem:s13], [sflag:$0x6], $0x80, v5, vm1, $0xb8;
	[tilespmem:$0x1F400] =	vst v63  }
0x257: {  	s13 =	simm.s32 @!p1 $0x1B400  }
0x258: {  	[hbm4b:s5+s11] =	stream.indirect_vreg.scatter @!p1 [tilespmem:s13], [sflag:$0x6], $0x80, v4, vm1, $0xb8;
	[tilespmem:$0x1F400] =	vst v63  }
0x259: {  	s13 =	simm.s32 @!p1 $0x1BC00  }
0x25a: {  	[hbm4b:s20+s11] =	stream.indirect_vreg.scatter @!p1 [tilespmem:s13], [sflag:$0x6], $0x80, v4, vm1, $0xb8;
	[tilespmem:$0x1F400] =	vst v63  }
0x25b: {  	s13 =	simm.s32 @!p1 $0x1C400  }
0x25c: {  	[hbm4b:s22+s11] =	stream.indirect_vreg.scatter @!p1 [tilespmem:s13], [sflag:$0x6], $0x80, v4, vm1, $0xb8;
	[tilespmem:$0x1F400] =	vst v63  }
0x25d: {  	s13 =	simm.s32 @!p1 $0x1CC00  }
0x25e: {  	[hbm4b:s23+s11] =	stream.indirect_vreg.scatter @!p1 [tilespmem:s13], [sflag:$0x6], $0x80, v4, vm1, $0xb8;
	[tilespmem:$0x1F400] =	vst v63  }
0x25f: {  	s13 =	simm.s32 @!p1 $0x1D400  }
0x260: {  	[hbm4b:s26+s11] =	stream.indirect_vreg.scatter @!p1 [tilespmem:s13], [sflag:$0x6], $0x80, v4, vm1, $0xb8;
	[tilespmem:$0x1F400] =	vst v63  }
0x261: {  	s13 =	simm.s32 @!p1 $0x1DC00  }
0x262: {  	[hbm4b:s28+s11] =	stream.indirect_vreg.scatter @!p1 [tilespmem:s13], [sflag:$0x6], $0x80, v4, vm1, $0xb8;
	[tilespmem:$0x1F400] =	vst v63  }
0x263: {  	s7 =	sadd.s32 $0x4, s7;
	s13 =	simm.s32 @!p1 $0x1E400  }
0x264: {  	[hbm4b:s29+s11] =	stream.indirect_vreg.scatter @!p1 [tilespmem:s13], [sflag:$0x6], $0x80, v4, vm1, $0xb8;
	[tilespmem:$0x1F400] =	vst v63  }
0x265: {  	p2 =	sge.s32 s7, s24;
	s13 =	simm.s32 @!p1 $0x1EC00  }
0x266: {  	[hbm4b:s30+s11] =	stream.indirect_vreg.scatter @!p1 [tilespmem:s13], [sflag:$0x6], $0x80, v4, vm1, $0xb8;
	[tilespmem:$0x1F400] =	vst v63  }
.Ltmp14:
0x267: {  	p1 =	sgt.s32 s9, s24;
	(pc) =	sbr.rel @p2 .LBB2_21-.Ltmp14, $4  }
0x268: {  	s9 =	simm.s32 @!p1 $0x5  }
0x269: {  	_ =	swait.ge @!p1 [sflag:s9], $0x8000  }
0x26a: {  	[sflag:s9] =	ssyncset.done @!p1 $0x0  }
0x26b: {  	[sflag:s9] =	ssyncadd.s32 @!p1 $0xFFFF8000  }
0x26c: {  	s8 =	sadd.s32 $0x4, s8;
	p1 =	slt.s32 s7, s1  }
0x26d: {  	s8 =	ssub.s32 @!p1 s8, s1  }
0x26e: {  	s8 =	smov.u32 @p1 s7  }
0x26f: {  	s7 =	simm.s32 @!p1 $0x6400;
	s8 =	sshll.u32 s8, $0x9  }
0x270: {  	s7 =	simm.s32 @p1 $0x5400;
	s8 =	sshra.s32 s8, $0x2  }
0x271: {  	s7 =	sadd.s32 s8, s7  }
0x272: {  	v4 =	vld [tilespmem:s7+$0x0];
	_ =	sdelay $0x4  }
0x273: {  	v5 =	vshll.u32 v4, $0x4  }
0x274: {  	v4 =	vand.u32 $0x7, v4;
	v5 =	vand.u32 $0xFFFFFF80, v5  }
0x275: {  	v4 =	vor.u32 v4, v5  }
0x276: {  	v5 =	vperm.xlane v4, v1  }
0x277: {  	s13 =	rddreg [dreg:$0x7]  }
0x278: {  	s14 =	rddreg [dreg:$0x8];
	v5 =	vadd.s32 v2, v5  }
0x279: {  	s15 =	rddreg [dreg:$0x9]  }
0x27a: {  	s8 =	rddreg [dreg:$0x0]  }
0x27b: {  	s7 =	rddreg [dreg:$0x2]  }
0x27c: {  	s9 =	simm.s32 $0xF400;
	s7 =	smov.u32 @p1 s8;
	s8 =	rddreg [dreg:$0xc]  }
0x27d: {  	[tilespmem:s9], [sflag:$0x2] =	stream.indirect_vreg.gather [hbm4b:s7+s31], $0x80, v5, vm0, $0xb8;
	[tilespmem:$0x1F400] =	vst v63  }
0x27e: {  	s9 =	rddreg [dreg:$0x5]  }
0x27f: {  	s11 =	simm.s32 $0xFC00;
	s8 =	smov.u32 @p1 s9;
	s9 =	rddreg [dreg:$0xd]  }
0x280: {  	[tilespmem:s11], [sflag:$0x2] =	stream.indirect_vreg.gather [hbm4b:s8+s31], $0x80, v5, vm0, $0xb8;
	[tilespmem:$0x1F400] =	vst v63  }
0x281: {  	s11 =	rddreg [dreg:$0x6]  }
0x282: {  	s12 =	simm.s32 $0x10400;
	s9 =	smov.u32 @p1 s11;
	s11 =	rddreg [dreg:$0xe]  }
0x283: {  	[tilespmem:s12], [sflag:$0x2] =	stream.indirect_vreg.gather [hbm4b:s9+s31], $0x80, v5, vm0, $0xb8;
	[tilespmem:$0x1F400] =	vst v63  }
0x284: {  	s11 =	smov.u32 @p1 s13;
	s13 =	rddreg [dreg:$0xf]  }
0x285: {  	s12 =	rddreg [dreg:$0xb]  }
0x286: {  	s16 =	simm.s32 $0x10C00;
	s13 =	smov.u32 @p1 s14;
	s14 =	rddreg [dreg:$0x10]  }
0x287: {  	[tilespmem:s16], [sflag:$0x2] =	stream.indirect_vreg.gather [hbm4b:s11+s31], $0x80, v5, vm0, $0xb8;
	[tilespmem:$0x1F400] =	vst v63  }
0x288: {  	s17 =	simm.s32 $0x11400;
	s14 =	smov.u32 @p1 s15;
	s15 =	rddreg [dreg:$0x11]  }
0x289: {  	[tilespmem:s17], [sflag:$0x2] =	stream.indirect_vreg.gather [hbm4b:s13+s31], $0x80, v5, vm0, $0xb8;
	[tilespmem:$0x1F400] =	vst v63  }
0x28a: {  	s18 =	simm.s32 $0x11C00;
	v4 =	vperm.xlane v4, v3;
	s16 =	rddreg [dreg:$0xa]  }
0x28b: {  	[tilespmem:s18], [sflag:$0x2] =	stream.indirect_vreg.gather [hbm4b:s14+s31], $0x80, v5, vm0, $0xb8;
	[tilespmem:$0x1F400] =	vst v63  }
0x28c: {  	s19 =	simm.s32 $0x12400;
	v4 =	vadd.s32 v2, v4;
	s15 =	smov.u32 @p1 s16;
	s16 =	rddreg [dreg:$0x12]  }
0x28d: {  	[tilespmem:s19], [sflag:$0x2] =	stream.indirect_vreg.gather [hbm4b:s15+s31], $0x80, v5, vm0, $0xb8;
	[tilespmem:$0x1F400] =	vst v63  }
0x28e: {  	s16 =	smov.u32 @p1 s12;
	s17 =	simm.s32 $0x12C00  }
0x28f: {  	[tilespmem:s17], [sflag:$0x2] =	stream.indirect_vreg.gather [hbm4b:s16+s31], $0x80, v5, vm0, $0xb8;
	[tilespmem:$0x1F400] =	vst v63  }
0x290: {  	s18 =	simm.s32 $0x13400  }
0x291: {  	[tilespmem:s18], [sflag:$0x2] =	stream.indirect_vreg.gather [hbm4b:s7+s31], $0x80, v4, vm0, $0xb8;
	[tilespmem:$0x1F400] =	vst v63  }
0x292: {  	s19 =	simm.s32 $0x13C00  }
0x293: {  	[tilespmem:s19], [sflag:$0x2] =	stream.indirect_vreg.gather [hbm4b:s8+s31], $0x80, v4, vm0, $0xb8;
	[tilespmem:$0x1F400] =	vst v63  }
0x294: {  	s8 =	simm.s32 $0x14400  }
0x295: {  	[tilespmem:s8], [sflag:$0x2] =	stream.indirect_vreg.gather [hbm4b:s9+s31], $0x80, v4, vm0, $0xb8;
	[tilespmem:$0x1F400] =	vst v63  }
0x296: {  	s9 =	simm.s32 $0x14C00  }
0x297: {  	[tilespmem:s9], [sflag:$0x2] =	stream.indirect_vreg.gather [hbm4b:s11+s31], $0x80, v4, vm0, $0xb8;
	[tilespmem:$0x1F400] =	vst v63  }
0x298: {  	s12 =	simm.s32 $0x15400  }
0x299: {  	[tilespmem:s12], [sflag:$0x2] =	stream.indirect_vreg.gather [hbm4b:s13+s31], $0x80, v4, vm0, $0xb8;
	[tilespmem:$0x1F400] =	vst v63  }
0x29a: {  	s17 =	simm.s32 $0x15C00  }
0x29b: {  	[tilespmem:s17], [sflag:$0x2] =	stream.indirect_vreg.gather [hbm4b:s14+s31], $0x80, v4, vm0, $0xb8;
	[tilespmem:$0x1F400] =	vst v63  }
.Ltmp15:
0x29c: {  	_ = 	snop;
	(pc) =	sbr.rel .LBB2_21-.Ltmp15, $4  }
0x29d: {  	s18 =	simm.s32 $0x16400  }
0x29e: {  	[tilespmem:s18], [sflag:$0x2] =	stream.indirect_vreg.gather [hbm4b:s15+s31], $0x80, v4, vm0, $0xb8;
	[tilespmem:$0x1F400] =	vst v63  }
0x29f: {  	s19 =	simm.s32 $0x16C00  }
0x2a0: {  	[tilespmem:s19], [sflag:$0x2] =	stream.indirect_vreg.gather [hbm4b:s16+s31], $0x80, v4, vm0, $0xb8;
	[tilespmem:$0x1F400] =	vst v63  }
.LBB2_23:
0x2a1: {  	_ =	sfence.sel $0x180000  }
0x2a2: {  	[bflag:$0x0] =	sbarrier.arrive $0xFFFF  }
0x2a3: {  	_ =	strace $0x90000047  }
0x2a4: {  	s0 =	stileid.u32;
	[bflag:$0x2] =	sbarrier.arrive $0xFFFF  }
0x2a5: {  	p0 =	sne.s32 s0, $0x0;
	s0 =	rddreg [dreg:$0x4]  }
0x2a6: {  	s0 =	sadd.s32 @!p0 $0x100000, s0  }
0x2a7: {  	[sflag:s0] =	ssyncadd.tile.s32 @!p0 $0x1;
	_ =	shalt  }
.Lfunc_end2:
_tile_overlayer_lowered:
.L_overlay_start_2:
0x2a8: {  	(tag) =	ssettag $0x2  }
0x2a9: {  	s0 =	rddreg [dreg:$0x0];
	s2 =	stileid.u32  }
0x2aa: {  	s1 =	rddreg [dreg:$0x1];
	p0 =	sne.s32 s2, $0x0  }
0x2ab: {  	s3 =	rddreg [dreg:$0x2];
	[bflag:$0x3] =	sbarrier.arrive $0xFFFF;
	s2 =	simm.s32 @!p0 $0x1C07  }
0x2ac: {  	[timem:s3], [sflag:s2] =	dma.local @!p0 [hbm:s0], s1  }
0x2ad: {  	s0 =	simm.s32 @!p0 $0x7  }
0x2ae: {  	_ =	swait.ge @!p0 [sflag:s0], s1  }
0x2af: {  	s1 =	ssub.s32 @!p0 $0x0, s1;
	[sflag:s0] =	ssyncset.done @!p0 $0x0  }
0x2b0: {  	[sflag:s0] =	ssyncadd.s32 @!p0 s1  }
0x2b1: {  	[bflag:$0x3] =	sbarrier.arrive $0xFFFF  }
0x2b2: {  	_ =	shalt  }

</sc_bundles>
